<compile_context>
chip_gen: v7x
topology: tpu7x:2x2x1
jax: 0.10.2.dev20260603
libtpu: 0.0.44.dev20260713+nightly
codegen_flags: <defaults>
</compile_context>

<pallas_src>
import functools

import jax
import jax.numpy as jnp
from jax import lax
from jax.experimental import pallas as pl
from jax.experimental.pallas import tpu as pltpu
from jax.experimental.pallas import tpu_sc as plsc

B = 8
N = 8192
N_GROUPS = 512
GROUP_SIZE = 32
EMBED_DIM = 384


def _fps_body(xyz_ref, f0_ref, cx_ref, cy_ref, cz_ref):
    x = xyz_ref[:, 0, :]
    y = xyz_ref[:, 1, :]
    z = xyz_ref[:, 2, :]
    col = lax.broadcasted_iota(jnp.int32, (B, N), 1)
    colM = lax.broadcasted_iota(jnp.int32, (B, N_GROUPS), 1)

    def body(i, carry):
        dist, far, ax, ay, az = carry
        onehot = (col == far).astype(jnp.float32)
        cx = jnp.sum(x * onehot, axis=1, keepdims=True)
        cy = jnp.sum(y * onehot, axis=1, keepdims=True)
        cz = jnp.sum(z * onehot, axis=1, keepdims=True)
        hit = colM == i
        ax = jnp.where(hit, cx, ax)
        ay = jnp.where(hit, cy, ay)
        az = jnp.where(hit, cz, az)
        dx = x - cx
        dy = y - cy
        dz = z - cz
        d = dx * dx + dy * dy
        d = d + dz * dz
        dist = jnp.where(d < dist, d, dist)
        m = jnp.max(dist, axis=1, keepdims=True)
        sel = jnp.where(dist == m, col, jnp.int32(N))
        far = jnp.min(sel, axis=1, keepdims=True)
        return dist, far, ax, ay, az

    dist0 = jnp.full((B, N), 1e10, dtype=jnp.float32)
    far0 = f0_ref[...]
    zM = jnp.zeros((B, N_GROUPS), dtype=jnp.float32)
    _, _, ax, ay, az = lax.fori_loop(0, N_GROUPS, body,
                                     (dist0, far0, zM, zM, zM))
    cx_ref[...] = ax
    cy_ref[...] = ay
    cz_ref[...] = az


def _fps_centroids(xyz_t, f0):
    cx, cy, cz = pl.pallas_call(
        _fps_body,
        out_shape=[jax.ShapeDtypeStruct((B, N_GROUPS), jnp.float32)] * 3,
    )(xyz_t, f0)
    return jnp.stack([cx, cy, cz], axis=-1)


_ROWS = B * N_GROUPS * GROUP_SIZE


_MBLK = 256
_BISECT = 26


def _d2thr_body(cen_ref, xyz_ref, d2_ref, thr_ref):
    cen = cen_ref[0]
    P = xyz_ref[0]
    G = lax.dot_general(cen, P, (((1,), (0,)), ((), ())),
                        preferred_element_type=jnp.float32)
    cn2 = jnp.sum(P * P, axis=0, keepdims=True)
    cm2 = jnp.sum(cen * cen, axis=1, keepdims=True)
    d2 = (cm2 + cn2) - 2.0 * G
    d2_ref[0] = d2.reshape(_MBLK, N // 128, 128)

    ones = jnp.ones((N, 1), dtype=jnp.float32)
    cmin = jnp.min(d2.reshape(_MBLK, GROUP_SIZE, N // GROUP_SIZE), axis=2)
    hi0 = jnp.max(cmin, axis=1, keepdims=True)
    lo0 = jnp.min(cmin, axis=1, keepdims=True) - 1.0
    kf = jnp.float32(GROUP_SIZE)

    def bis(_, carry):
        lo, hi, t, found = carry
        mid = 0.5 * (lo + hi)
        cnt = lax.dot_general((d2 <= mid).astype(jnp.float32), ones,
                              (((1,), (0,)), ((), ())),
                              preferred_element_type=jnp.float32)
        live = found == 0.0
        eq = jnp.logical_and(cnt == kf, live)
        t = jnp.where(eq, mid, t)
        found = jnp.where(eq, 1.0, found)
        ge = cnt >= kf
        live2 = jnp.logical_and(live, jnp.logical_not(eq))
        hi = jnp.where(jnp.logical_and(live2, ge), mid, hi)
        lo = jnp.where(jnp.logical_and(live2, jnp.logical_not(ge)), mid, lo)
        return lo, hi, t, found

    f0 = jnp.zeros((_MBLK, 1), dtype=jnp.float32)
    lo, hi, t, found = lax.fori_loop(0, _BISECT, bis, (lo0, hi0, hi0, f0))
    thr_ref[0] = jnp.where(found > 0.0, t, hi)


def _d2_thresholds(cen, xyz_t):
    d2, thr = pl.pallas_call(
        _d2thr_body,
        grid=(B, N_GROUPS // _MBLK),
        in_specs=[
            pl.BlockSpec((1, _MBLK, 3), lambda b, r: (b, r, 0)),
            pl.BlockSpec((1, 3, N), lambda b, r: (b, 0, 0)),
        ],
        out_specs=[
            pl.BlockSpec((1, _MBLK, N // 128, 128), lambda b, r: (b, r, 0, 0)),
            pl.BlockSpec((1, _MBLK, 1), lambda b, r: (b, r, 0)),
        ],
        out_shape=[
            jax.ShapeDtypeStruct((B, N_GROUPS, N // 128, 128), jnp.float32),
            jax.ShapeDtypeStruct((B, N_GROUPS, 1), jnp.float32),
        ],
        compiler_params=pltpu.CompilerParams(
            dimension_semantics=("arbitrary", "arbitrary")),
    )(cen, xyz_t)
    return d2.reshape(B * N_GROUPS, N), thr.reshape(B * N_GROUPS)


_NW = 32
_NROWS = B * N_GROUPS
_RPT = _NROWS // _NW
_PPT = _RPT * GROUP_SIZE
_NV = N // 16


def _sc_body(d2_hbm, thr_hbm, cen_hbm, pts_hbm, out_hbm,
             d2a, d2b, thr_v, cxv, cyv, czv, xp, yp, zp,
             bufx, bufy, bufz, selbuf, sema, semb):
    cc = lax.axis_index("c")
    ss = lax.axis_index("s")
    wid = ss * 2 + cc
    base_row = wid * _RPT
    bt = wid // (_NW // B)

    pltpu.sync_copy(thr_hbm.at[pl.ds(base_row, _RPT)], thr_v)
    pltpu.sync_copy(cen_hbm.at[pl.ds(base_row, _RPT)], cxv)
    pltpu.sync_copy(cen_hbm.at[pl.ds(_NROWS + base_row, _RPT)], cyv)
    pltpu.sync_copy(cen_hbm.at[pl.ds(2 * _NROWS + base_row, _RPT)], czv)
    pb = bt * 3 * N
    pltpu.sync_copy(pts_hbm.at[pl.ds(pb, N)], xp)
    pltpu.sync_copy(pts_hbm.at[pl.ds(pb + N, N)], yp)
    pltpu.sync_copy(pts_hbm.at[pl.ds(pb + 2 * N, N)], zp)

    iota16 = lax.iota(jnp.int32, 16)

    def process_row(r, d2row):
        rsplat = jnp.broadcast_to(r, (16,)).astype(jnp.int32)
        tv = plsc.load_gather(thr_v, [rsplat])

        def scan_body(ci, p):
            b0 = ci * 128
            vs = [d2row[pl.ds(pl.multiple_of(b0 + k * 16, 16), 16)]
                  for k in range(8)]
            ms = [v <= tv for v in vs]
            pcs = [plsc.all_reduce_population_count(m)[0] for m in ms]
            for k in range(8):
                plsc.store_compressed(selbuf.at[pl.ds(p, 16)],
                                      iota16 + (b0 + k * 16), mask=ms[k])
                p = p + pcs[k]
            return p

        lax.fori_loop(0, _NV // 8, scan_body, jnp.int32(0))

        i0 = selbuf[pl.ds(0, 16)]
        i1 = selbuf[pl.ds(16, 16)]
        cx = plsc.load_gather(cxv, [rsplat])
        cy = plsc.load_gather(cyv, [rsplat])
        cz = plsc.load_gather(czv, [rsplat])
        ob = pl.multiple_of(r * GROUP_SIZE, GROUP_SIZE)
        bufx[pl.ds(ob, 16)] = plsc.load_gather(xp, [i0]) - cx
        bufx[pl.ds(ob + 16, 16)] = plsc.load_gather(xp, [i1]) - cx
        bufy[pl.ds(ob, 16)] = plsc.load_gather(yp, [i0]) - cy
        bufy[pl.ds(ob + 16, 16)] = plsc.load_gather(yp, [i1]) - cy
        bufz[pl.ds(ob, 16)] = plsc.load_gather(zp, [i0]) - cz
        bufz[pl.ds(ob + 16, 16)] = plsc.load_gather(zp, [i1]) - cz

    def rowslice(r):
        return d2_hbm.at[pl.ds(pl.multiple_of((base_row + r) * N, N), N)]

    pltpu.async_copy(rowslice(0), d2a, sema)

    def two_rows(i, _):
        ra = 2 * i
        pltpu.async_copy(rowslice(ra + 1), d2b, semb)
        pltpu.make_async_copy(rowslice(0), d2a, sema).wait()
        process_row(ra, d2a)

        @pl.when(ra + 2 < _RPT)
        def _():
            pltpu.async_copy(rowslice(ra + 2), d2a, sema)

        pltpu.make_async_copy(rowslice(0), d2b, semb).wait()
        process_row(ra + 1, d2b)
        return 0

    lax.fori_loop(0, _RPT // 2, two_rows, 0)

    ob0 = wid * _PPT
    pltpu.sync_copy(bufx, out_hbm.at[pl.ds(ob0, _PPT)])
    pltpu.sync_copy(bufy, out_hbm.at[pl.ds(_ROWS + ob0, _PPT)])
    pltpu.sync_copy(bufz, out_hbm.at[pl.ds(2 * _ROWS + ob0, _PPT)])


_sc_select_gather = functools.partial(
    pl.kernel,
    out_type=jax.ShapeDtypeStruct((3 * _ROWS,), jnp.float32),
    mesh=plsc.VectorSubcoreMesh(core_axis_name="c", subcore_axis_name="s"),
    compiler_params=pltpu.CompilerParams(needs_layout_passes=False),
    scratch_types=[
        pltpu.VMEM((N,), jnp.float32),
        pltpu.VMEM((N,), jnp.float32),
        pltpu.VMEM((_RPT,), jnp.float32),
        pltpu.VMEM((_RPT,), jnp.float32),
        pltpu.VMEM((_RPT,), jnp.float32),
        pltpu.VMEM((_RPT,), jnp.float32),
        pltpu.VMEM((N,), jnp.float32),
        pltpu.VMEM((N,), jnp.float32),
        pltpu.VMEM((N,), jnp.float32),
        pltpu.VMEM((_PPT,), jnp.float32),
        pltpu.VMEM((_PPT,), jnp.float32),
        pltpu.VMEM((_PPT,), jnp.float32),
        pltpu.VMEM((N,), jnp.int32),
        pltpu.SemaphoreType.DMA,
        pltpu.SemaphoreType.DMA,
    ],
)(_sc_body)


_RBLK = 2048
_NBLK = _ROWS // _RBLK
_GBLK = _RBLK // GROUP_SIZE


def _mlp_body(x_ref, W1_ref, b1_ref, g1_ref, be1_ref, W2_ref, b2_ref, g2_ref,
              be2_ref, W3_ref, b3_ref, g3_ref, be3_ref, tok_ref,
              s1, q1, s2, q2, s3, q3, gmax, gmin):
    p = pl.program_id(0)
    j = pl.program_id(1)
    eps = jnp.float32(1e-5)
    ntot = jnp.float32(_ROWS)

    def mm(a, w_ref, b_ref):
        y = lax.dot_general(a, w_ref[...], (((1,), (1,)), ((), ())),
                            preferred_element_type=jnp.float32)
        return y + b_ref[...]

    def y1_of():
        y = lax.dot_general(x_ref[...], W1_ref[...], (((0,), (1,)), ((), ())),
                            preferred_element_type=jnp.float32)
        return y + b1_ref[...]

    def bn_relu(y, s_ref, q_ref, g_ref, be_ref):
        m = s_ref[...] / ntot
        var = q_ref[...] / ntot - m * m
        inv = lax.rsqrt(var + eps)
        return jnp.maximum(g_ref[...] * (y - m) * inv + be_ref[...], 0.0)

    @pl.when(jnp.logical_and(p == 0, j == 0))
    def _init():
        s1[...] = jnp.zeros_like(s1)
        q1[...] = jnp.zeros_like(q1)
        s2[...] = jnp.zeros_like(s2)
        q2[...] = jnp.zeros_like(q2)
        s3[...] = jnp.zeros_like(s3)
        q3[...] = jnp.zeros_like(q3)

    @pl.when(p == 0)
    def _p0():
        y1 = y1_of()
        s1[...] += jnp.sum(y1, axis=0, keepdims=True)
        q1[...] += jnp.sum(y1 * y1, axis=0, keepdims=True)

    @pl.when(p == 1)
    def _p1():
        y1 = y1_of()
        h1 = bn_relu(y1, s1, q1, g1_ref, be1_ref)
        y2 = mm(h1, W2_ref, b2_ref)
        s2[...] += jnp.sum(y2, axis=0, keepdims=True)
        q2[...] += jnp.sum(y2 * y2, axis=0, keepdims=True)

    @pl.when(p == 2)
    def _p2():
        y1 = y1_of()
        h1 = bn_relu(y1, s1, q1, g1_ref, be1_ref)
        y2 = mm(h1, W2_ref, b2_ref)
        h2 = bn_relu(y2, s2, q2, g2_ref, be2_ref)
        y3 = mm(h2, W3_ref, b3_ref)
        s3[...] += jnp.sum(y3, axis=0, keepdims=True)
        q3[...] += jnp.sum(y3 * y3, axis=0, keepdims=True)
        y3g = y3.reshape(_GBLK, GROUP_SIZE, EMBED_DIM)
        r0 = pl.multiple_of(j * _GBLK, _GBLK)
        gmax[pl.ds(r0, _GBLK), :] = jnp.max(y3g, axis=1)
        gmin[pl.ds(r0, _GBLK), :] = jnp.min(y3g, axis=1)

    @pl.when(p == 3)
    def _p3():
        m3 = s3[...] / ntot
        var3 = q3[...] / ntot - m3 * m3
        inv3 = lax.rsqrt(var3 + eps)
        r0 = pl.multiple_of(j * _GBLK, _GBLK)
        gx = gmax[pl.ds(r0, _GBLK), :]
        gm = gmin[pl.ds(r0, _GBLK), :]
        g3v = g3_ref[...]
        hi = g3v * (gx - m3) * inv3
        lo = g3v * (gm - m3) * inv3
        tok_ref[...] = jnp.where(g3v > 0, hi, lo) + be3_ref[...]


def _mlp_tokens(xrows, W1, b1, g1, be1, W2, b2, g2, be2, W3, b3, g3, be3):
    r2 = lambda a: a.reshape(1, -1)
    out = pl.pallas_call(
        _mlp_body,
        grid=(4, _NBLK),
        in_specs=[
            pl.BlockSpec((3, _RBLK), lambda p, j: (0, j)),
            pl.BlockSpec((64, 3), lambda p, j: (0, 0)),
            pl.BlockSpec((1, 64), lambda p, j: (0, 0)),
            pl.BlockSpec((1, 64), lambda p, j: (0, 0)),
            pl.BlockSpec((1, 64), lambda p, j: (0, 0)),
            pl.BlockSpec((128, 64), lambda p, j: (0, 0)),
            pl.BlockSpec((1, 128), lambda p, j: (0, 0)),
            pl.BlockSpec((1, 128), lambda p, j: (0, 0)),
            pl.BlockSpec((1, 128), lambda p, j: (0, 0)),
            pl.BlockSpec((EMBED_DIM, 128), lambda p, j: (0, 0)),
            pl.BlockSpec((1, EMBED_DIM), lambda p, j: (0, 0)),
            pl.BlockSpec((1, EMBED_DIM), lambda p, j: (0, 0)),
            pl.BlockSpec((1, EMBED_DIM), lambda p, j: (0, 0)),
        ],
        out_specs=pl.BlockSpec((_GBLK, EMBED_DIM), lambda p, j: (j, 0)),
        out_shape=jax.ShapeDtypeStruct((B * N_GROUPS, EMBED_DIM), jnp.float32),
        scratch_shapes=[
            pltpu.VMEM((1, 64), jnp.float32), pltpu.VMEM((1, 64), jnp.float32),
            pltpu.VMEM((1, 128), jnp.float32), pltpu.VMEM((1, 128), jnp.float32),
            pltpu.VMEM((1, EMBED_DIM), jnp.float32),
            pltpu.VMEM((1, EMBED_DIM), jnp.float32),
            pltpu.VMEM((B * N_GROUPS, EMBED_DIM), jnp.float32),
            pltpu.VMEM((B * N_GROUPS, EMBED_DIM), jnp.float32),
        ],
        compiler_params=pltpu.CompilerParams(
            dimension_semantics=("arbitrary", "arbitrary")),
    )(xrows, W1, r2(b1), r2(g1), r2(be1), W2, r2(b2), r2(g2), r2(be2),
      W3, r2(b3), r2(g3), r2(be3))
    return out


def kernel(points_data, W1, b1, g1, be1, W2, b2, g2, be2, W3, b3, g3, be3):
    xyz = points_data
    xyz_t = jnp.transpose(xyz, (0, 2, 1))
    f0 = jax.random.randint(jax.random.key(42), (B,), 0, N,
                            dtype=jnp.int32).reshape(B, 1)
    centroids_xyz = _fps_centroids(xyz_t, f0)

    d2, thr = _d2_thresholds(centroids_xyz, xyz_t)
    cen_flat = jnp.transpose(centroids_xyz.reshape(_NROWS, 3)).reshape(-1)
    gn_flat = _sc_select_gather(d2.reshape(-1), thr, cen_flat,
                                xyz_t.reshape(-1))
    xrows = gn_flat.reshape(3, _ROWS)
    tok = _mlp_tokens(xrows, W1, b1, g1, be1, W2, b2, g2, be2, W3, b3, g3, be3)
    tokens = tok.reshape(B, N_GROUPS, EMBED_DIM)
    return (tokens, centroids_xyz)

# --- scband reference (transcript-rebuilt; emitter-appended) ---
"""Pipeline reference for scband-point-patch-embed-52003464020568 (READ-ONLY COPY).

The authoritative reference and input builder live on the scoring server;
editing this copy changes nothing except your own understanding.
"""

import jax, jax.numpy as jnp
import numpy as np

B = 8
N = 8192
N_GROUPS = 512
GROUP_SIZE = 32
EMBED_DIM = 384
IN_CHANS = 3


def setup_inputs(seed: int = 0):
    key = jax.random.key(seed)
    ks = jax.random.split(key, 8)
    points_data = jax.random.normal(ks[0], (B, N, IN_CHANS), dtype=jnp.float32)
    W1 = jax.random.normal(ks[1], (64, IN_CHANS), dtype=jnp.float32) * 0.1
    b1 = jnp.zeros((64,), dtype=jnp.float32)
    g1 = jnp.ones((64,), dtype=jnp.float32)
    be1 = jnp.zeros((64,), dtype=jnp.float32)
    W2 = jax.random.normal(ks[2], (128, 64), dtype=jnp.float32) * 0.05
    b2 = jnp.zeros((128,), dtype=jnp.float32)
    g2 = jnp.ones((128,), dtype=jnp.float32)
    be2 = jnp.zeros((128,), dtype=jnp.float32)
    W3 = jax.random.normal(ks[3], (EMBED_DIM, 128), dtype=jnp.float32) * 0.05
    b3 = jnp.zeros((EMBED_DIM,), dtype=jnp.float32)
    g3 = jnp.ones((EMBED_DIM,), dtype=jnp.float32)
    be3 = jnp.zeros((EMBED_DIM,), dtype=jnp.float32)
    return {"points_data": points_data, "W1": W1, "b1": b1, "g1": g1, "be1": be1,
            "W2": W2, "b2": b2, "g2": g2, "be2": be2,
            "W3": W3, "b3": b3, "g3": g3, "be3": be3}


def farthest_point_sample(xyz, npoint, key):
    Bb, Nn, _ = xyz.shape
    farthest = jax.random.randint(key, (Bb,), 0, Nn, dtype=jnp.int32)
    distance = jnp.full((Bb, Nn), 1e10, dtype=xyz.dtype)
    centroids = jnp.zeros((Bb, npoint), dtype=jnp.int32)

    def body(i, state):
        centroids, distance, farthest = state
        centroids = centroids.at[:, i].set(farthest)
        centroid = jnp.take_along_axis(xyz, farthest[:, None, None], axis=1)  # (B,1,3)
        dist = jnp.sum((xyz - centroid) ** 2, axis=-1)
        distance = jnp.where(dist < distance, dist, distance)
        farthest = jnp.argmax(distance, axis=-1).astype(jnp.int32)
        return (centroids, distance, farthest)

    centroids, _, _ = jax.lax.fori_loop(0, npoint, body, (centroids, distance, farthest))
    return centroids


def knn_group(xyz, centroids_xyz, k):
    # squared euclidean distance; top-k order matches torch.cdist (monotonic)
    d2 = (jnp.sum(centroids_xyz ** 2, axis=-1)[:, :, None]
          + jnp.sum(xyz ** 2, axis=-1)[:, None, :]
          - 2.0 * jnp.einsum('bmc,bnc->bmn', centroids_xyz, xyz))
    _, idx = jax.lax.top_k(-d2, k)  # smallest distances
    Bb, M, _ = centroids_xyz.shape
    grouped = jnp.take_along_axis(xyz, idx.reshape(Bb, M * k)[:, :, None], axis=1)
    return grouped.reshape(Bb, M, k, xyz.shape[-1])


def _bn(y, g, be, eps=1e-5):
    # BatchNorm1d in training mode over (batch, length) dims of (B*, C, L)
    mean = jnp.mean(y, axis=(0, 2), keepdims=True)
    var = jnp.var(y, axis=(0, 2), keepdims=True)
    return g[None, :, None] * (y - mean) / jnp.sqrt(var + eps) + be[None, :, None]


def reference(points_data, W1, b1, g1, be1, W2, b2, g2, be2, W3, b3, g3, be3):
    Bb, Nn, C = points_data.shape
    xyz = points_data[..., :3]
    ci = farthest_point_sample(jax.lax.stop_gradient(xyz), N_GROUPS, jax.random.key(42))
    centroids_xyz = jnp.take_along_axis(xyz, ci[:, :, None], axis=1)  # (B, M, 3)
    grouped = knn_group(points_data, centroids_xyz, GROUP_SIZE)  # (B, M, k, C)
    gn = grouped.at[..., :3].set(grouped[..., :3] - centroids_xyz[:, :, None, :3])
    x = jnp.transpose(gn, (0, 1, 3, 2)).reshape(-1, C, GROUP_SIZE)  # (B*M, C, k)
    y = jnp.einsum('oc,bck->bok', W1, x) + b1[None, :, None]
    y = jax.nn.relu(_bn(y, g1, be1))
    y = jnp.einsum('oc,bck->bok', W2, y) + b2[None, :, None]
    y = jax.nn.relu(_bn(y, g2, be2))
    y = jnp.einsum('oc,bck->bok', W3, y) + b3[None, :, None]
    y = _bn(y, g3, be3)
    tokens = jnp.max(y, axis=2).reshape(Bb, N_GROUPS, EMBED_DIM)
    return (tokens, centroids_xyz)

if __name__ == "__main__":
    import jax
    _d = setup_inputs()
    print(jax.jit(kernel)(*tuple(_d.values())))

</pallas_src>

<mosaic_0001>
#map = affine_map<(d0, d1) -> (0)>
module attributes {stable_mosaic.version = 14 : i64} {
  func.func @_sc_body(%arg0: i32, %arg1: i32, %arg2: memref<33554432xf32, #tpu.memory_space<hbm>>, %arg3: memref<4096xf32, #tpu.memory_space<hbm>>, %arg4: memref<12288xf32, #tpu.memory_space<hbm>>, %arg5: memref<196608xf32, #tpu.memory_space<hbm>>, %arg6: memref<393216xf32, #tpu.memory_space<hbm>>, %arg7: memref<8192xf32, #tpu.memory_space<vmem>>, %arg8: memref<8192xf32, #tpu.memory_space<vmem>>, %arg9: memref<128xf32, #tpu.memory_space<vmem>>, %arg10: memref<128xf32, #tpu.memory_space<vmem>>, %arg11: memref<128xf32, #tpu.memory_space<vmem>>, %arg12: memref<128xf32, #tpu.memory_space<vmem>>, %arg13: memref<8192xf32, #tpu.memory_space<vmem>>, %arg14: memref<8192xf32, #tpu.memory_space<vmem>>, %arg15: memref<8192xf32, #tpu.memory_space<vmem>>, %arg16: memref<4096xf32, #tpu.memory_space<vmem>>, %arg17: memref<4096xf32, #tpu.memory_space<vmem>>, %arg18: memref<4096xf32, #tpu.memory_space<vmem>>, %arg19: memref<8192xi32, #tpu.memory_space<vmem>>, %arg20: memref<!tpu.dma_semaphore, #tpu.memory_space<semaphore_mem>>, %arg21: memref<!tpu.dma_semaphore, #tpu.memory_space<semaphore_mem>>) attributes {dimension_semantics = [#tpu.dimension_semantics<core_parallel>, #tpu.dimension_semantics<subcore_parallel>], iteration_bounds = array<i64: 2, 16>, scalar_prefetch = 0 : i64, scratch_operands = 15 : i64, tpu.core_type = #tpu.core_type<sc_vector_subcore>, window_params = [{transform_indices = #map}, {transform_indices = #map}, {transform_indices = #map}, {transform_indices = #map}, {transform_indices = #map}]} {
    %mul3A = arith.constant 2 : i32
    %mul3A_0 = arith.muli %arg1, %mul3A : i32
    %add3A = arith.addi %mul3A_0, %arg0 : i32
    %mul3A_1 = arith.constant 128 : i32
    %mul3A_2 = arith.muli %add3A, %mul3A_1 : i32
    %jit3A = arith.constant 4 : i32
    %div3A = arith.divsi %add3A, %jit3A : i32
    %sign3A = arith.constant 0 : i32
    %sign3A_3 = arith.cmpi sgt, %add3A, %sign3A : i32
    %sign3A_4 = arith.extui %sign3A_3 : i1 to i32
    %sign3A_5 = arith.constant 0 : i32
    %sign3A_6 = arith.cmpi slt, %add3A, %sign3A_5 : i32
    %sign3A_7 = arith.extui %sign3A_6 : i1 to i32
    %sign3A_8 = arith.subi %sign3A_4, %sign3A_7 : i32
    %sign3A_9 = arith.constant 0 : i32
    %sign3A_10 = arith.cmpi sgt, %jit3A, %sign3A_9 : i32
    %sign3A_11 = arith.extui %sign3A_10 : i1 to i32
    %sign3A_12 = arith.constant 0 : i32
    %sign3A_13 = arith.cmpi slt, %jit3A, %sign3A_12 : i32
    %sign3A_14 = arith.extui %sign3A_13 : i1 to i32
    %sign3A_15 = arith.subi %sign3A_11, %sign3A_14 : i32
    %ne3A = arith.cmpi ne, %sign3A_8, %sign3A_15 : i32
    %rem3A = arith.remsi %add3A, %jit3A : i32
    %ne3A_16 = arith.constant 0 : i32
    %ne3A_17 = arith.cmpi ne, %rem3A, %ne3A_16 : i32
    %and3A = arith.andi %ne3A, %ne3A_17 : i1
    %sub3A = arith.constant 1 : i32
    %sub3A_18 = arith.subi %div3A, %sub3A : i32
    %select_n3A = arith.select %and3A, %sub3A_18, %div3A : i32
    "tpu.region"() ({
      %run_scoped3A = tpu.sem_alloc : memref<!tpu.dma_semaphore, #tpu.memory_space<semaphore_mem>>
      %dma_start3A_48 = tpu.memref_slice %arg3[%mul3A_2] : memref<4096xf32, #tpu.memory_space<hbm>> -> memref<128xf32, #tpu.memory_space<hbm>>
      %dma_start3A_49 = tpu.memref_slice %arg3[%mul3A_2] : memref<4096xf32, #tpu.memory_space<hbm>> -> memref<128xf32, #tpu.memory_space<hbm>>
      tpu.enqueue_dma source(%dma_start3A_49 : memref<128xf32, #tpu.memory_space<hbm>>) target(%arg9 : memref<128xf32, #tpu.memory_space<vmem>>) target_semaphore(%run_scoped3A : memref<!tpu.dma_semaphore, #tpu.memory_space<semaphore_mem>>)
      %dma_wait3A = tpu.memref_slice %arg3[%mul3A_2] : memref<4096xf32, #tpu.memory_space<hbm>> -> memref<128xf32, #tpu.memory_space<hbm>>
      %dma_wait3A_50 = tpu.memref_slice %arg3[%mul3A_2] : memref<4096xf32, #tpu.memory_space<hbm>> -> memref<128xf32, #tpu.memory_space<hbm>>
      tpu.wait_dma2 semaphore(%run_scoped3A : memref<!tpu.dma_semaphore, #tpu.memory_space<semaphore_mem>>) src(%dma_wait3A_50 : memref<128xf32, #tpu.memory_space<hbm>>) dst(%arg9 : memref<128xf32, #tpu.memory_space<vmem>>)
      tpu.yield
    }) : () -> ()
    "tpu.region"() ({
      %run_scoped3A = tpu.sem_alloc : memref<!tpu.dma_semaphore, #tpu.memory_space<semaphore_mem>>
      %dma_start3A_48 = tpu.memref_slice %arg4[%mul3A_2] : memref<12288xf32, #tpu.memory_space<hbm>> -> memref<128xf32, #tpu.memory_space<hbm>>
      %dma_start3A_49 = tpu.memref_slice %arg4[%mul3A_2] : memref<12288xf32, #tpu.memory_space<hbm>> -> memref<128xf32, #tpu.memory_space<hbm>>
      tpu.enqueue_dma source(%dma_start3A_49 : memref<128xf32, #tpu.memory_space<hbm>>) target(%arg10 : memref<128xf32, #tpu.memory_space<vmem>>) target_semaphore(%run_scoped3A : memref<!tpu.dma_semaphore, #tpu.memory_space<semaphore_mem>>)
      %dma_wait3A = tpu.memref_slice %arg4[%mul3A_2] : memref<12288xf32, #tpu.memory_space<hbm>> -> memref<128xf32, #tpu.memory_space<hbm>>
      %dma_wait3A_50 = tpu.memref_slice %arg4[%mul3A_2] : memref<12288xf32, #tpu.memory_space<hbm>> -> memref<128xf32, #tpu.memory_space<hbm>>
      tpu.wait_dma2 semaphore(%run_scoped3A : memref<!tpu.dma_semaphore, #tpu.memory_space<semaphore_mem>>) src(%dma_wait3A_50 : memref<128xf32, #tpu.memory_space<hbm>>) dst(%arg10 : memref<128xf32, #tpu.memory_space<vmem>>)
      tpu.yield
    }) : () -> ()
    %add3A_19 = arith.constant 4096 : i32
    %add3A_20 = arith.addi %add3A_19, %mul3A_2 : i32
    "tpu.region"() ({
      %run_scoped3A = tpu.sem_alloc : memref<!tpu.dma_semaphore, #tpu.memory_space<semaphore_mem>>
      %dma_start3A_48 = tpu.memref_slice %arg4[%add3A_20] : memref<12288xf32, #tpu.memory_space<hbm>> -> memref<128xf32, #tpu.memory_space<hbm>>
      %dma_start3A_49 = tpu.memref_slice %arg4[%add3A_20] : memref<12288xf32, #tpu.memory_space<hbm>> -> memref<128xf32, #tpu.memory_space<hbm>>
      tpu.enqueue_dma source(%dma_start3A_49 : memref<128xf32, #tpu.memory_space<hbm>>) target(%arg11 : memref<128xf32, #tpu.memory_space<vmem>>) target_semaphore(%run_scoped3A : memref<!tpu.dma_semaphore, #tpu.memory_space<semaphore_mem>>)
      %dma_wait3A = tpu.memref_slice %arg4[%add3A_20] : memref<12288xf32, #tpu.memory_space<hbm>> -> memref<128xf32, #tpu.memory_space<hbm>>
      %dma_wait3A_50 = tpu.memref_slice %arg4[%add3A_20] : memref<12288xf32, #tpu.memory_space<hbm>> -> memref<128xf32, #tpu.memory_space<hbm>>
      tpu.wait_dma2 semaphore(%run_scoped3A : memref<!tpu.dma_semaphore, #tpu.memory_space<semaphore_mem>>) src(%dma_wait3A_50 : memref<128xf32, #tpu.memory_space<hbm>>) dst(%arg11 : memref<128xf32, #tpu.memory_space<vmem>>)
      tpu.yield
    }) : () -> ()
    %add3A_21 = arith.constant 8192 : i32
    %add3A_22 = arith.addi %add3A_21, %mul3A_2 : i32
    "tpu.region"() ({
      %run_scoped3A = tpu.sem_alloc : memref<!tpu.dma_semaphore, #tpu.memory_space<semaphore_mem>>
      %dma_start3A_48 = tpu.memref_slice %arg4[%add3A_22] : memref<12288xf32, #tpu.memory_space<hbm>> -> memref<128xf32, #tpu.memory_space<hbm>>
      %dma_start3A_49 = tpu.memref_slice %arg4[%add3A_22] : memref<12288xf32, #tpu.memory_space<hbm>> -> memref<128xf32, #tpu.memory_space<hbm>>
      tpu.enqueue_dma source(%dma_start3A_49 : memref<128xf32, #tpu.memory_space<hbm>>) target(%arg12 : memref<128xf32, #tpu.memory_space<vmem>>) target_semaphore(%run_scoped3A : memref<!tpu.dma_semaphore, #tpu.memory_space<semaphore_mem>>)
      %dma_wait3A = tpu.memref_slice %arg4[%add3A_22] : memref<12288xf32, #tpu.memory_space<hbm>> -> memref<128xf32, #tpu.memory_space<hbm>>
      %dma_wait3A_50 = tpu.memref_slice %arg4[%add3A_22] : memref<12288xf32, #tpu.memory_space<hbm>> -> memref<128xf32, #tpu.memory_space<hbm>>
      tpu.wait_dma2 semaphore(%run_scoped3A : memref<!tpu.dma_semaphore, #tpu.memory_space<semaphore_mem>>) src(%dma_wait3A_50 : memref<128xf32, #tpu.memory_space<hbm>>) dst(%arg12 : memref<128xf32, #tpu.memory_space<vmem>>)
      tpu.yield
    }) : () -> ()
    %mul3A_23 = arith.constant 3 : i32
    %mul3A_24 = arith.muli %select_n3A, %mul3A_23 : i32
    %mul3A_25 = arith.constant 8192 : i32
    %mul3A_26 = arith.muli %mul3A_24, %mul3A_25 : i32
    "tpu.region"() ({
      %run_scoped3A = tpu.sem_alloc : memref<!tpu.dma_semaphore, #tpu.memory_space<semaphore_mem>>
      %dma_start3A_48 = tpu.memref_slice %arg5[%mul3A_26] : memref<196608xf32, #tpu.memory_space<hbm>> -> memref<8192xf32, #tpu.memory_space<hbm>>
      %dma_start3A_49 = tpu.memref_slice %arg5[%mul3A_26] : memref<196608xf32, #tpu.memory_space<hbm>> -> memref<8192xf32, #tpu.memory_space<hbm>>
      tpu.enqueue_dma source(%dma_start3A_49 : memref<8192xf32, #tpu.memory_space<hbm>>) target(%arg13 : memref<8192xf32, #tpu.memory_space<vmem>>) target_semaphore(%run_scoped3A : memref<!tpu.dma_semaphore, #tpu.memory_space<semaphore_mem>>)
      %dma_wait3A = tpu.memref_slice %arg5[%mul3A_26] : memref<196608xf32, #tpu.memory_space<hbm>> -> memref<8192xf32, #tpu.memory_space<hbm>>
      %dma_wait3A_50 = tpu.memref_slice %arg5[%mul3A_26] : memref<196608xf32, #tpu.memory_space<hbm>> -> memref<8192xf32, #tpu.memory_space<hbm>>
      tpu.wait_dma2 semaphore(%run_scoped3A : memref<!tpu.dma_semaphore, #tpu.memory_space<semaphore_mem>>) src(%dma_wait3A_50 : memref<8192xf32, #tpu.memory_space<hbm>>) dst(%arg13 : memref<8192xf32, #tpu.memory_space<vmem>>)
      tpu.yield
    }) : () -> ()
    %add3A_27 = arith.constant 8192 : i32
    %add3A_28 = arith.addi %mul3A_26, %add3A_27 : i32
    "tpu.region"() ({
      %run_scoped3A = tpu.sem_alloc : memref<!tpu.dma_semaphore, #tpu.memory_space<semaphore_mem>>
      %dma_start3A_48 = tpu.memref_slice %arg5[%add3A_28] : memref<196608xf32, #tpu.memory_space<hbm>> -> memref<8192xf32, #tpu.memory_space<hbm>>
      %dma_start3A_49 = tpu.memref_slice %arg5[%add3A_28] : memref<196608xf32, #tpu.memory_space<hbm>> -> memref<8192xf32, #tpu.memory_space<hbm>>
      tpu.enqueue_dma source(%dma_start3A_49 : memref<8192xf32, #tpu.memory_space<hbm>>) target(%arg14 : memref<8192xf32, #tpu.memory_space<vmem>>) target_semaphore(%run_scoped3A : memref<!tpu.dma_semaphore, #tpu.memory_space<semaphore_mem>>)
      %dma_wait3A = tpu.memref_slice %arg5[%add3A_28] : memref<196608xf32, #tpu.memory_space<hbm>> -> memref<8192xf32, #tpu.memory_space<hbm>>
      %dma_wait3A_50 = tpu.memref_slice %arg5[%add3A_28] : memref<196608xf32, #tpu.memory_space<hbm>> -> memref<8192xf32, #tpu.memory_space<hbm>>
      tpu.wait_dma2 semaphore(%run_scoped3A : memref<!tpu.dma_semaphore, #tpu.memory_space<semaphore_mem>>) src(%dma_wait3A_50 : memref<8192xf32, #tpu.memory_space<hbm>>) dst(%arg14 : memref<8192xf32, #tpu.memory_space<vmem>>)
      tpu.yield
    }) : () -> ()
    %add3A_29 = arith.constant 16384 : i32
    %add3A_30 = arith.addi %mul3A_26, %add3A_29 : i32
    "tpu.region"() ({
      %run_scoped3A = tpu.sem_alloc : memref<!tpu.dma_semaphore, #tpu.memory_space<semaphore_mem>>
      %dma_start3A_48 = tpu.memref_slice %arg5[%add3A_30] : memref<196608xf32, #tpu.memory_space<hbm>> -> memref<8192xf32, #tpu.memory_space<hbm>>
      %dma_start3A_49 = tpu.memref_slice %arg5[%add3A_30] : memref<196608xf32, #tpu.memory_space<hbm>> -> memref<8192xf32, #tpu.memory_space<hbm>>
      tpu.enqueue_dma source(%dma_start3A_49 : memref<8192xf32, #tpu.memory_space<hbm>>) target(%arg15 : memref<8192xf32, #tpu.memory_space<vmem>>) target_semaphore(%run_scoped3A : memref<!tpu.dma_semaphore, #tpu.memory_space<semaphore_mem>>)
      %dma_wait3A = tpu.memref_slice %arg5[%add3A_30] : memref<196608xf32, #tpu.memory_space<hbm>> -> memref<8192xf32, #tpu.memory_space<hbm>>
      %dma_wait3A_50 = tpu.memref_slice %arg5[%add3A_30] : memref<196608xf32, #tpu.memory_space<hbm>> -> memref<8192xf32, #tpu.memory_space<hbm>>
      tpu.wait_dma2 semaphore(%run_scoped3A : memref<!tpu.dma_semaphore, #tpu.memory_space<semaphore_mem>>) src(%dma_wait3A_50 : memref<8192xf32, #tpu.memory_space<hbm>>) dst(%arg15 : memref<8192xf32, #tpu.memory_space<vmem>>)
      tpu.yield
    }) : () -> ()
    %iota3A = tpu.iota {dimensions = array<i32: 0>} : vector<16xi32>
    %add3A_31 = arith.constant 0 : i32
    %add3A_32 = arith.addi %mul3A_2, %add3A_31 : i32
    %mul3A_33 = arith.constant 8192 : i32
    %mul3A_34 = arith.muli %add3A_32, %mul3A_33 : i32
    %multiple_of3A = tpu.assume_multiple %mul3A_34, 8192 : i32
    %dma_start3A = tpu.memref_slice %arg2[%multiple_of3A] : memref<33554432xf32, #tpu.memory_space<hbm>> -> memref<8192xf32, #tpu.memory_space<hbm>>
    %dma_start3A_35 = tpu.memref_slice %arg2[%multiple_of3A] : memref<33554432xf32, #tpu.memory_space<hbm>> -> memref<8192xf32, #tpu.memory_space<hbm>>
    tpu.enqueue_dma source(%dma_start3A_35 : memref<8192xf32, #tpu.memory_space<hbm>>) target(%arg7 : memref<8192xf32, #tpu.memory_space<vmem>>) target_semaphore(%arg20 : memref<!tpu.dma_semaphore, #tpu.memory_space<semaphore_mem>>)
    %scan3A = arith.constant 0 : i32
    %scan3A_36 = arith.constant 0 : i32
    %scan3A_37 = arith.constant 64 : i32
    %scan3A_38 = arith.addi %scan3A_36, %scan3A_37 : i32
    %scan3A_39 = arith.constant 1 : i32
    %scan3A_40 = scf.for %scan3A_48 = %scan3A_36 to %scan3A_38 step %scan3A_39 iter_args(%scan3A_49 = %scan3A) -> (i32)  : i32 {
      %mul3A_50 = arith.constant 2 : i32
      %mul3A_51 = arith.muli %mul3A_50, %scan3A_48 : i32
      %add3A_52 = arith.constant 1 : i32
      %add3A_53 = arith.addi %mul3A_51, %add3A_52 : i32
      %add3A_54 = arith.addi %mul3A_2, %add3A_53 : i32
      %mul3A_55 = arith.constant 8192 : i32
      %mul3A_56 = arith.muli %add3A_54, %mul3A_55 : i32
      %multiple_of3A_57 = tpu.assume_multiple %mul3A_56, 8192 : i32
      %dma_start3A_58 = tpu.memref_slice %arg2[%multiple_of3A_57] : memref<33554432xf32, #tpu.memory_space<hbm>> -> memref<8192xf32, #tpu.memory_space<hbm>>
      %dma_start3A_59 = tpu.memref_slice %arg2[%multiple_of3A_57] : memref<33554432xf32, #tpu.memory_space<hbm>> -> memref<8192xf32, #tpu.memory_space<hbm>>
      tpu.enqueue_dma source(%dma_start3A_59 : memref<8192xf32, #tpu.memory_space<hbm>>) target(%arg8 : memref<8192xf32, #tpu.memory_space<vmem>>) target_semaphore(%arg21 : memref<!tpu.dma_semaphore, #tpu.memory_space<semaphore_mem>>)
      %add3A_60 = arith.constant 0 : i32
      %add3A_61 = arith.addi %mul3A_2, %add3A_60 : i32
      %mul3A_62 = arith.constant 8192 : i32
      %mul3A_63 = arith.muli %add3A_61, %mul3A_62 : i32
      %multiple_of3A_64 = tpu.assume_multiple %mul3A_63, 8192 : i32
      %dma_wait3A = tpu.memref_slice %arg2[%multiple_of3A_64] : memref<33554432xf32, #tpu.memory_space<hbm>> -> memref<8192xf32, #tpu.memory_space<hbm>>
      %dma_wait3A_65 = tpu.memref_slice %arg2[%multiple_of3A_64] : memref<33554432xf32, #tpu.memory_space<hbm>> -> memref<8192xf32, #tpu.memory_space<hbm>>
      tpu.wait_dma2 semaphore(%arg20 : memref<!tpu.dma_semaphore, #tpu.memory_space<semaphore_mem>>) src(%dma_wait3A_65 : memref<8192xf32, #tpu.memory_space<hbm>>) dst(%arg7 : memref<8192xf32, #tpu.memory_space<vmem>>)
      %broadcast_in_dim3A = vector.broadcast %mul3A_51 : i32 to vector<16xi32>
      %gather3A = tpu.vector_load_idx %arg9[%broadcast_in_dim3A] : memref<128xf32, #tpu.memory_space<vmem>>[vector<16xi32>], vector<16xf32>,
      %scan3A_66 = arith.constant 0 : i32
      %scan3A_67 = arith.constant 0 : i32
      %scan3A_68 = arith.constant 64 : i32
      %scan3A_69 = arith.addi %scan3A_67, %scan3A_68 : i32
      %scan3A_70 = arith.constant 1 : i32
      %scan3A_71 = scf.for %scan3A_174 = %scan3A_67 to %scan3A_69 step %scan3A_70 iter_args(%scan3A_175 = %scan3A_66) -> (i32)  : i32 {
        %mul3A_176 = arith.constant 128 : i32
        %mul3A_177 = arith.muli %scan3A_174, %mul3A_176 : i32
        %add3A_178 = arith.constant 0 : i32
        %add3A_179 = arith.addi %mul3A_177, %add3A_178 : i32
        %multiple_of3A_180 = tpu.assume_multiple %add3A_179, 16 : i32
        %get3A_181 = arith.index_cast %multiple_of3A_180 : i32 to index
        %get3A_182 = tpu.vector_load %arg7[%get3A_181] {strides = array<i32>} : memref<8192xf32, #tpu.memory_space<vmem>>, vector<16xf32>,
        %add3A_183 = arith.constant 16 : i32
        %add3A_184 = arith.addi %mul3A_177, %add3A_183 : i32
        %multiple_of3A_185 = tpu.assume_multiple %add3A_184, 16 : i32
        %get3A_186 = arith.index_cast %multiple_of3A_185 : i32 to index
        %get3A_187 = tpu.vector_load %arg7[%get3A_186] {strides = array<i32>} : memref<8192xf32, #tpu.memory_space<vmem>>, vector<16xf32>,
        %add3A_188 = arith.constant 32 : i32
        %add3A_189 = arith.addi %mul3A_177, %add3A_188 : i32
        %multiple_of3A_190 = tpu.assume_multiple %add3A_189, 16 : i32
        %get3A_191 = arith.index_cast %multiple_of3A_190 : i32 to index
        %get3A_192 = tpu.vector_load %arg7[%get3A_191] {strides = array<i32>} : memref<8192xf32, #tpu.memory_space<vmem>>, vector<16xf32>,
        %add3A_193 = arith.constant 48 : i32
        %add3A_194 = arith.addi %mul3A_177, %add3A_193 : i32
        %multiple_of3A_195 = tpu.assume_multiple %add3A_194, 16 : i32
        %get3A_196 = arith.index_cast %multiple_of3A_195 : i32 to index
        %get3A_197 = tpu.vector_load %arg7[%get3A_196] {strides = array<i32>} : memref<8192xf32, #tpu.memory_space<vmem>>, vector<16xf32>,
        %add3A_198 = arith.constant 64 : i32
        %add3A_199 = arith.addi %mul3A_177, %add3A_198 : i32
        %multiple_of3A_200 = tpu.assume_multiple %add3A_199, 16 : i32
        %get3A_201 = arith.index_cast %multiple_of3A_200 : i32 to index
        %get3A_202 = tpu.vector_load %arg7[%get3A_201] {strides = array<i32>} : memref<8192xf32, #tpu.memory_space<vmem>>, vector<16xf32>,
        %add3A_203 = arith.constant 80 : i32
        %add3A_204 = arith.addi %mul3A_177, %add3A_203 : i32
        %multiple_of3A_205 = tpu.assume_multiple %add3A_204, 16 : i32
        %get3A_206 = arith.index_cast %multiple_of3A_205 : i32 to index
        %get3A_207 = tpu.vector_load %arg7[%get3A_206] {strides = array<i32>} : memref<8192xf32, #tpu.memory_space<vmem>>, vector<16xf32>,
        %add3A_208 = arith.constant 96 : i32
        %add3A_209 = arith.addi %mul3A_177, %add3A_208 : i32
        %multiple_of3A_210 = tpu.assume_multiple %add3A_209, 16 : i32
        %get3A_211 = arith.index_cast %multiple_of3A_210 : i32 to index
        %get3A_212 = tpu.vector_load %arg7[%get3A_211] {strides = array<i32>} : memref<8192xf32, #tpu.memory_space<vmem>>, vector<16xf32>,
        %add3A_213 = arith.constant 112 : i32
        %add3A_214 = arith.addi %mul3A_177, %add3A_213 : i32
        %multiple_of3A_215 = tpu.assume_multiple %add3A_214, 16 : i32
        %get3A_216 = arith.index_cast %multiple_of3A_215 : i32 to index
        %get3A_217 = tpu.vector_load %arg7[%get3A_216] {strides = array<i32>} : memref<8192xf32, #tpu.memory_space<vmem>>, vector<16xf32>,
        %le3A = arith.cmpf ole, %get3A_182, %gather3A : vector<16xf32>
        %le3A_218 = arith.cmpf ole, %get3A_187, %gather3A : vector<16xf32>
        %le3A_219 = arith.cmpf ole, %get3A_192, %gather3A : vector<16xf32>
        %le3A_220 = arith.cmpf ole, %get3A_197, %gather3A : vector<16xf32>
        %le3A_221 = arith.cmpf ole, %get3A_202, %gather3A : vector<16xf32>
        %le3A_222 = arith.cmpf ole, %get3A_207, %gather3A : vector<16xf32>
        %le3A_223 = arith.cmpf ole, %get3A_212, %gather3A : vector<16xf32>
        %le3A_224 = arith.cmpf ole, %get3A_217, %gather3A : vector<16xf32>
        %all_reduce_population_count3A = tpu.all_reduce %le3A {dim = 0 : i64, kind = #tpu.reduction_kind<sum>} : vector<16xi1> -> vector<16xi32>
        %slice3A = vector.extract_strided_slice %all_reduce_population_count3A {offsets = [0], sizes = [1], strides = [1]} : vector<16xi32> to vector<1xi32>
        %squeeze3A = vector.extract %slice3A[0] : i32 from vector<1xi32>
        %all_reduce_population_count3A_225 = tpu.all_reduce %le3A_218 {dim = 0 : i64, kind = #tpu.reduction_kind<sum>} : vector<16xi1> -> vector<16xi32>
        %slice3A_226 = vector.extract_strided_slice %all_reduce_population_count3A_225 {offsets = [0], sizes = [1], strides = [1]} : vector<16xi32> to vector<1xi32>
        %squeeze3A_227 = vector.extract %slice3A_226[0] : i32 from vector<1xi32>
        %all_reduce_population_count3A_228 = tpu.all_reduce %le3A_219 {dim = 0 : i64, kind = #tpu.reduction_kind<sum>} : vector<16xi1> -> vector<16xi32>
        %slice3A_229 = vector.extract_strided_slice %all_reduce_population_count3A_228 {offsets = [0], sizes = [1], strides = [1]} : vector<16xi32> to vector<1xi32>
        %squeeze3A_230 = vector.extract %slice3A_229[0] : i32 from vector<1xi32>
        %all_reduce_population_count3A_231 = tpu.all_reduce %le3A_220 {dim = 0 : i64, kind = #tpu.reduction_kind<sum>} : vector<16xi1> -> vector<16xi32>
        %slice3A_232 = vector.extract_strided_slice %all_reduce_population_count3A_231 {offsets = [0], sizes = [1], strides = [1]} : vector<16xi32> to vector<1xi32>
        %squeeze3A_233 = vector.extract %slice3A_232[0] : i32 from vector<1xi32>
        %all_reduce_population_count3A_234 = tpu.all_reduce %le3A_221 {dim = 0 : i64, kind = #tpu.reduction_kind<sum>} : vector<16xi1> -> vector<16xi32>
        %slice3A_235 = vector.extract_strided_slice %all_reduce_population_count3A_234 {offsets = [0], sizes = [1], strides = [1]} : vector<16xi32> to vector<1xi32>
        %squeeze3A_236 = vector.extract %slice3A_235[0] : i32 from vector<1xi32>
        %all_reduce_population_count3A_237 = tpu.all_reduce %le3A_222 {dim = 0 : i64, kind = #tpu.reduction_kind<sum>} : vector<16xi1> -> vector<16xi32>
        %slice3A_238 = vector.extract_strided_slice %all_reduce_population_count3A_237 {offsets = [0], sizes = [1], strides = [1]} : vector<16xi32> to vector<1xi32>
        %squeeze3A_239 = vector.extract %slice3A_238[0] : i32 from vector<1xi32>
        %all_reduce_population_count3A_240 = tpu.all_reduce %le3A_223 {dim = 0 : i64, kind = #tpu.reduction_kind<sum>} : vector<16xi1> -> vector<16xi32>
        %slice3A_241 = vector.extract_strided_slice %all_reduce_population_count3A_240 {offsets = [0], sizes = [1], strides = [1]} : vector<16xi32> to vector<1xi32>
        %squeeze3A_242 = vector.extract %slice3A_241[0] : i32 from vector<1xi32>
        %all_reduce_population_count3A_243 = tpu.all_reduce %le3A_224 {dim = 0 : i64, kind = #tpu.reduction_kind<sum>} : vector<16xi1> -> vector<16xi32>
        %slice3A_244 = vector.extract_strided_slice %all_reduce_population_count3A_243 {offsets = [0], sizes = [1], strides = [1]} : vector<16xi32> to vector<1xi32>
        %squeeze3A_245 = vector.extract %slice3A_244[0] : i32 from vector<1xi32>
        %add3A_246 = arith.constant 0 : i32
        %add3A_247 = arith.addi %mul3A_177, %add3A_246 : i32
        %add3A_248 = vector.broadcast %add3A_247 : i32 to vector<16xi32>
        %add3A_249 = arith.addi %iota3A, %add3A_248 : vector<16xi32>
        %swap3A_250 = arith.index_cast %scan3A_175 : i32 to index
        %swap3A_251 = tpu.vector_load %arg19[%swap3A_250] masked %le3A {strides = array<i32>} : memref<8192xi32, #tpu.memory_space<vmem>>, vector<16xi32>, vector<16xi1>
        tpu.vector_store %arg19[%swap3A_250], %add3A_249 masked %le3A {strides = array<i32>} : memref<8192xi32, #tpu.memory_space<vmem>>, vector<16xi32>, vector<16xi1>
        %add3A_252 = arith.addi %scan3A_175, %squeeze3A : i32
        %add3A_253 = arith.constant 16 : i32
        %add3A_254 = arith.addi %mul3A_177, %add3A_253 : i32
        %add3A_255 = vector.broadcast %add3A_254 : i32 to vector<16xi32>
        %add3A_256 = arith.addi %iota3A, %add3A_255 : vector<16xi32>
        %swap3A_257 = arith.index_cast %add3A_252 : i32 to index
        %swap3A_258 = tpu.vector_load %arg19[%swap3A_257] masked %le3A_218 {strides = array<i32>} : memref<8192xi32, #tpu.memory_space<vmem>>, vector<16xi32>, vector<16xi1>
        tpu.vector_store %arg19[%swap3A_257], %add3A_256 masked %le3A_218 {strides = array<i32>} : memref<8192xi32, #tpu.memory_space<vmem>>, vector<16xi32>, vector<16xi1>
        %add3A_259 = arith.addi %add3A_252, %squeeze3A_227 : i32
        %add3A_260 = arith.constant 32 : i32
        %add3A_261 = arith.addi %mul3A_177, %add3A_260 : i32
        %add3A_262 = vector.broadcast %add3A_261 : i32 to vector<16xi32>
        %add3A_263 = arith.addi %iota3A, %add3A_262 : vector<16xi32>
        %swap3A_264 = arith.index_cast %add3A_259 : i32 to index
        %swap3A_265 = tpu.vector_load %arg19[%swap3A_264] masked %le3A_219 {strides = array<i32>} : memref<8192xi32, #tpu.memory_space<vmem>>, vector<16xi32>, vector<16xi1>
        tpu.vector_store %arg19[%swap3A_264], %add3A_263 masked %le3A_219 {strides = array<i32>} : memref<8192xi32, #tpu.memory_space<vmem>>, vector<16xi32>, vector<16xi1>
        %add3A_266 = arith.addi %add3A_259, %squeeze3A_230 : i32
        %add3A_267 = arith.constant 48 : i32
        %add3A_268 = arith.addi %mul3A_177, %add3A_267 : i32
        %add3A_269 = vector.broadcast %add3A_268 : i32 to vector<16xi32>
        %add3A_270 = arith.addi %iota3A, %add3A_269 : vector<16xi32>
        %swap3A_271 = arith.index_cast %add3A_266 : i32 to index
        %swap3A_272 = tpu.vector_load %arg19[%swap3A_271] masked %le3A_220 {strides = array<i32>} : memref<8192xi32, #tpu.memory_space<vmem>>, vector<16xi32>, vector<16xi1>
        tpu.vector_store %arg19[%swap3A_271], %add3A_270 masked %le3A_220 {strides = array<i32>} : memref<8192xi32, #tpu.memory_space<vmem>>, vector<16xi32>, vector<16xi1>
        %add3A_273 = arith.addi %add3A_266, %squeeze3A_233 : i32
        %add3A_274 = arith.constant 64 : i32
        %add3A_275 = arith.addi %mul3A_177, %add3A_274 : i32
        %add3A_276 = vector.broadcast %add3A_275 : i32 to vector<16xi32>
        %add3A_277 = arith.addi %iota3A, %add3A_276 : vector<16xi32>
        %swap3A_278 = arith.index_cast %add3A_273 : i32 to index
        %swap3A_279 = tpu.vector_load %arg19[%swap3A_278] masked %le3A_221 {strides = array<i32>} : memref<8192xi32, #tpu.memory_space<vmem>>, vector<16xi32>, vector<16xi1>
        tpu.vector_store %arg19[%swap3A_278], %add3A_277 masked %le3A_221 {strides = array<i32>} : memref<8192xi32, #tpu.memory_space<vmem>>, vector<16xi32>, vector<16xi1>
        %add3A_280 = arith.addi %add3A_273, %squeeze3A_236 : i32
        %add3A_281 = arith.constant 80 : i32
        %add3A_282 = arith.addi %mul3A_177, %add3A_281 : i32
        %add3A_283 = vector.broadcast %add3A_282 : i32 to vector<16xi32>
        %add3A_284 = arith.addi %iota3A, %add3A_283 : vector<16xi32>
        %swap3A_285 = arith.index_cast %add3A_280 : i32 to index
        %swap3A_286 = tpu.vector_load %arg19[%swap3A_285] masked %le3A_222 {strides = array<i32>} : memref<8192xi32, #tpu.memory_space<vmem>>, vector<16xi32>, vector<16xi1>
        tpu.vector_store %arg19[%swap3A_285], %add3A_284 masked %le3A_222 {strides = array<i32>} : memref<8192xi32, #tpu.memory_space<vmem>>, vector<16xi32>, vector<16xi1>
        %add3A_287 = arith.addi %add3A_280, %squeeze3A_239 : i32
        %add3A_288 = arith.constant 96 : i32
        %add3A_289 = arith.addi %mul3A_177, %add3A_288 : i32
        %add3A_290 = vector.broadcast %add3A_289 : i32 to vector<16xi32>
        %add3A_291 = arith.addi %iota3A, %add3A_290 : vector<16xi32>
        %swap3A_292 = arith.index_cast %add3A_287 : i32 to index
        %swap3A_293 = tpu.vector_load %arg19[%swap3A_292] masked %le3A_223 {strides = array<i32>} : memref<8192xi32, #tpu.memory_space<vmem>>, vector<16xi32>, vector<16xi1>
        tpu.vector_store %arg19[%swap3A_292], %add3A_291 masked %le3A_223 {strides = array<i32>} : memref<8192xi32, #tpu.memory_space<vmem>>, vector<16xi32>, vector<16xi1>
        %add3A_294 = arith.addi %add3A_287, %squeeze3A_242 : i32
        %add3A_295 = arith.constant 112 : i32
        %add3A_296 = arith.addi %mul3A_177, %add3A_295 : i32
        %add3A_297 = vector.broadcast %add3A_296 : i32 to vector<16xi32>
        %add3A_298 = arith.addi %iota3A, %add3A_297 : vector<16xi32>
        %swap3A_299 = arith.index_cast %add3A_294 : i32 to index
        %swap3A_300 = tpu.vector_load %arg19[%swap3A_299] masked %le3A_224 {strides = array<i32>} : memref<8192xi32, #tpu.memory_space<vmem>>, vector<16xi32>, vector<16xi1>
        tpu.vector_store %arg19[%swap3A_299], %add3A_298 masked %le3A_224 {strides = array<i32>} : memref<8192xi32, #tpu.memory_space<vmem>>, vector<16xi32>, vector<16xi1>
        %add3A_301 = arith.addi %add3A_294, %squeeze3A_245 : i32
        scf.yield %add3A_301 : i32
      }
      %scan3A_72 = arith.constant 64 : i32
      %get3A = arith.constant 0 : index
      %get3A_73 = tpu.vector_load %arg19[%get3A] {strides = array<i32>} : memref<8192xi32, #tpu.memory_space<vmem>>, vector<16xi32>,
      %get3A_74 = arith.constant 16 : index
      %get3A_75 = tpu.vector_load %arg19[%get3A_74] {strides = array<i32>} : memref<8192xi32, #tpu.memory_space<vmem>>, vector<16xi32>,
      %gather3A_76 = tpu.vector_load_idx %arg10[%broadcast_in_dim3A] : memref<128xf32, #tpu.memory_space<vmem>>[vector<16xi32>], vector<16xf32>,
      %gather3A_77 = tpu.vector_load_idx %arg11[%broadcast_in_dim3A] : memref<128xf32, #tpu.memory_space<vmem>>[vector<16xi32>], vector<16xf32>,
      %gather3A_78 = tpu.vector_load_idx %arg12[%broadcast_in_dim3A] : memref<128xf32, #tpu.memory_space<vmem>>[vector<16xi32>], vector<16xf32>,
      %mul3A_79 = arith.constant 32 : i32
      %mul3A_80 = arith.muli %mul3A_51, %mul3A_79 : i32
      %multiple_of3A_81 = tpu.assume_multiple %mul3A_80, 32 : i32
      %gather3A_82 = tpu.vector_load_idx %arg13[%get3A_73] : memref<8192xf32, #tpu.memory_space<vmem>>[vector<16xi32>], vector<16xf32>,
      %sub3A_83 = arith.subf %gather3A_82, %gather3A_76 : vector<16xf32>
      %swap3A = arith.index_cast %multiple_of3A_81 : i32 to index
      %swap3A_84 = tpu.vector_load %arg16[%swap3A] {strides = array<i32>} : memref<4096xf32, #tpu.memory_space<vmem>>, vector<16xf32>,
      tpu.vector_store %arg16[%swap3A], %sub3A_83 {strides = array<i32>} : memref<4096xf32, #tpu.memory_space<vmem>>, vector<16xf32>,
      %gather3A_85 = tpu.vector_load_idx %arg13[%get3A_75] : memref<8192xf32, #tpu.memory_space<vmem>>[vector<16xi32>], vector<16xf32>,
      %sub3A_86 = arith.subf %gather3A_85, %gather3A_76 : vector<16xf32>
      %add3A_87 = arith.constant 16 : i32
      %add3A_88 = arith.addi %multiple_of3A_81, %add3A_87 : i32
      %swap3A_89 = arith.index_cast %add3A_88 : i32 to index
      %swap3A_90 = tpu.vector_load %arg16[%swap3A_89] {strides = array<i32>} : memref<4096xf32, #tpu.memory_space<vmem>>, vector<16xf32>,
      tpu.vector_store %arg16[%swap3A_89], %sub3A_86 {strides = array<i32>} : memref<4096xf32, #tpu.memory_space<vmem>>, vector<16xf32>,
      %gather3A_91 = tpu.vector_load_idx %arg14[%get3A_73] : memref<8192xf32, #tpu.memory_space<vmem>>[vector<16xi32>], vector<16xf32>,
      %sub3A_92 = arith.subf %gather3A_91, %gather3A_77 : vector<16xf32>
      %swap3A_93 = arith.index_cast %multiple_of3A_81 : i32 to index
      %swap3A_94 = tpu.vector_load %arg17[%swap3A_93] {strides = array<i32>} : memref<4096xf32, #tpu.memory_space<vmem>>, vector<16xf32>,
      tpu.vector_store %arg17[%swap3A_93], %sub3A_92 {strides = array<i32>} : memref<4096xf32, #tpu.memory_space<vmem>>, vector<16xf32>,
      %gather3A_95 = tpu.vector_load_idx %arg14[%get3A_75] : memref<8192xf32, #tpu.memory_space<vmem>>[vector<16xi32>], vector<16xf32>,
      %sub3A_96 = arith.subf %gather3A_95, %gather3A_77 : vector<16xf32>
      %add3A_97 = arith.constant 16 : i32
      %add3A_98 = arith.addi %multiple_of3A_81, %add3A_97 : i32
      %swap3A_99 = arith.index_cast %add3A_98 : i32 to index
      %swap3A_100 = tpu.vector_load %arg17[%swap3A_99] {strides = array<i32>} : memref<4096xf32, #tpu.memory_space<vmem>>, vector<16xf32>,
      tpu.vector_store %arg17[%swap3A_99], %sub3A_96 {strides = array<i32>} : memref<4096xf32, #tpu.memory_space<vmem>>, vector<16xf32>,
      %gather3A_101 = tpu.vector_load_idx %arg15[%get3A_73] : memref<8192xf32, #tpu.memory_space<vmem>>[vector<16xi32>], vector<16xf32>,
      %sub3A_102 = arith.subf %gather3A_101, %gather3A_78 : vector<16xf32>
      %swap3A_103 = arith.index_cast %multiple_of3A_81 : i32 to index
      %swap3A_104 = tpu.vector_load %arg18[%swap3A_103] {strides = array<i32>} : memref<4096xf32, #tpu.memory_space<vmem>>, vector<16xf32>,
      tpu.vector_store %arg18[%swap3A_103], %sub3A_102 {strides = array<i32>} : memref<4096xf32, #tpu.memory_space<vmem>>, vector<16xf32>,
      %gather3A_105 = tpu.vector_load_idx %arg15[%get3A_75] : memref<8192xf32, #tpu.memory_space<vmem>>[vector<16xi32>], vector<16xf32>,
      %sub3A_106 = arith.subf %gather3A_105, %gather3A_78 : vector<16xf32>
      %add3A_107 = arith.constant 16 : i32
      %add3A_108 = arith.addi %multiple_of3A_81, %add3A_107 : i32
      %swap3A_109 = arith.index_cast %add3A_108 : i32 to index
      %swap3A_110 = tpu.vector_load %arg18[%swap3A_109] {strides = array<i32>} : memref<4096xf32, #tpu.memory_space<vmem>>, vector<16xf32>,
      tpu.vector_store %arg18[%swap3A_109], %sub3A_106 {strides = array<i32>} : memref<4096xf32, #tpu.memory_space<vmem>>, vector<16xf32>,
      %add3A_111 = arith.constant 2 : i32
      %add3A_112 = arith.addi %mul3A_51, %add3A_111 : i32
      %lt3A = arith.constant 128 : i32
      %lt3A_113 = arith.cmpi slt, %add3A_112, %lt3A : i32
      %convert_element_type3A = arith.extui %lt3A_113 : i1 to i32
      %cond3A = arith.constant 0 : i32
      %cond3A_114 = arith.cmpi ne, %convert_element_type3A, %cond3A : i32
      scf.if %cond3A_114 {
        %add3A_174 = arith.constant 2 : i32
        %add3A_175 = arith.addi %mul3A_51, %add3A_174 : i32
        %add3A_176 = arith.addi %mul3A_2, %add3A_175 : i32
        %mul3A_177 = arith.constant 8192 : i32
        %mul3A_178 = arith.muli %add3A_176, %mul3A_177 : i32
        %multiple_of3A_179 = tpu.assume_multiple %mul3A_178, 8192 : i32
        %dma_start3A_180 = tpu.memref_slice %arg2[%multiple_of3A_179] : memref<33554432xf32, #tpu.memory_space<hbm>> -> memref<8192xf32, #tpu.memory_space<hbm>>
        %dma_start3A_181 = tpu.memref_slice %arg2[%multiple_of3A_179] : memref<33554432xf32, #tpu.memory_space<hbm>> -> memref<8192xf32, #tpu.memory_space<hbm>>
        tpu.enqueue_dma source(%dma_start3A_181 : memref<8192xf32, #tpu.memory_space<hbm>>) target(%arg7 : memref<8192xf32, #tpu.memory_space<vmem>>) target_semaphore(%arg20 : memref<!tpu.dma_semaphore, #tpu.memory_space<semaphore_mem>>)
      } else {
      }
      %add3A_115 = arith.constant 0 : i32
      %add3A_116 = arith.addi %mul3A_2, %add3A_115 : i32
      %mul3A_117 = arith.constant 8192 : i32
      %mul3A_118 = arith.muli %add3A_116, %mul3A_117 : i32
      %multiple_of3A_119 = tpu.assume_multiple %mul3A_118, 8192 : i32
      %dma_wait3A_120 = tpu.memref_slice %arg2[%multiple_of3A_119] : memref<33554432xf32, #tpu.memory_space<hbm>> -> memref<8192xf32, #tpu.memory_space<hbm>>
      %dma_wait3A_121 = tpu.memref_slice %arg2[%multiple_of3A_119] : memref<33554432xf32, #tpu.memory_space<hbm>> -> memref<8192xf32, #tpu.memory_space<hbm>>
      tpu.wait_dma2 semaphore(%arg21 : memref<!tpu.dma_semaphore, #tpu.memory_space<semaphore_mem>>) src(%dma_wait3A_121 : memref<8192xf32, #tpu.memory_space<hbm>>) dst(%arg8 : memref<8192xf32, #tpu.memory_space<vmem>>)
      %add3A_122 = arith.constant 1 : i32
      %add3A_123 = arith.addi %mul3A_51, %add3A_122 : i32
      %broadcast_in_dim3A_124 = vector.broadcast %add3A_123 : i32 to vector<16xi32>
      %gather3A_125 = tpu.vector_load_idx %arg9[%broadcast_in_dim3A_124] : memref<128xf32, #tpu.memory_space<vmem>>[vector<16xi32>], vector<16xf32>,
      %scan3A_126 = arith.constant 0 : i32
      %scan3A_127 = arith.constant 0 : i32
      %scan3A_128 = arith.constant 64 : i32
      %scan3A_129 = arith.addi %scan3A_127, %scan3A_128 : i32
      %scan3A_130 = arith.constant 1 : i32
      %scan3A_131 = scf.for %scan3A_174 = %scan3A_127 to %scan3A_129 step %scan3A_130 iter_args(%scan3A_175 = %scan3A_126) -> (i32)  : i32 {
        %mul3A_176 = arith.constant 128 : i32
        %mul3A_177 = arith.muli %scan3A_174, %mul3A_176 : i32
        %add3A_178 = arith.constant 0 : i32
        %add3A_179 = arith.addi %mul3A_177, %add3A_178 : i32
        %multiple_of3A_180 = tpu.assume_multiple %add3A_179, 16 : i32
        %get3A_181 = arith.index_cast %multiple_of3A_180 : i32 to index
        %get3A_182 = tpu.vector_load %arg8[%get3A_181] {strides = array<i32>} : memref<8192xf32, #tpu.memory_space<vmem>>, vector<16xf32>,
        %add3A_183 = arith.constant 16 : i32
        %add3A_184 = arith.addi %mul3A_177, %add3A_183 : i32
        %multiple_of3A_185 = tpu.assume_multiple %add3A_184, 16 : i32
        %get3A_186 = arith.index_cast %multiple_of3A_185 : i32 to index
        %get3A_187 = tpu.vector_load %arg8[%get3A_186] {strides = array<i32>} : memref<8192xf32, #tpu.memory_space<vmem>>, vector<16xf32>,
        %add3A_188 = arith.constant 32 : i32
        %add3A_189 = arith.addi %mul3A_177, %add3A_188 : i32
        %multiple_of3A_190 = tpu.assume_multiple %add3A_189, 16 : i32
        %get3A_191 = arith.index_cast %multiple_of3A_190 : i32 to index
        %get3A_192 = tpu.vector_load %arg8[%get3A_191] {strides = array<i32>} : memref<8192xf32, #tpu.memory_space<vmem>>, vector<16xf32>,
        %add3A_193 = arith.constant 48 : i32
        %add3A_194 = arith.addi %mul3A_177, %add3A_193 : i32
        %multiple_of3A_195 = tpu.assume_multiple %add3A_194, 16 : i32
        %get3A_196 = arith.index_cast %multiple_of3A_195 : i32 to index
        %get3A_197 = tpu.vector_load %arg8[%get3A_196] {strides = array<i32>} : memref<8192xf32, #tpu.memory_space<vmem>>, vector<16xf32>,
        %add3A_198 = arith.constant 64 : i32
        %add3A_199 = arith.addi %mul3A_177, %add3A_198 : i32
        %multiple_of3A_200 = tpu.assume_multiple %add3A_199, 16 : i32
        %get3A_201 = arith.index_cast %multiple_of3A_200 : i32 to index
        %get3A_202 = tpu.vector_load %arg8[%get3A_201] {strides = array<i32>} : memref<8192xf32, #tpu.memory_space<vmem>>, vector<16xf32>,
        %add3A_203 = arith.constant 80 : i32
        %add3A_204 = arith.addi %mul3A_177, %add3A_203 : i32
        %multiple_of3A_205 = tpu.assume_multiple %add3A_204, 16 : i32
        %get3A_206 = arith.index_cast %multiple_of3A_205 : i32 to index
        %get3A_207 = tpu.vector_load %arg8[%get3A_206] {strides = array<i32>} : memref<8192xf32, #tpu.memory_space<vmem>>, vector<16xf32>,
        %add3A_208 = arith.constant 96 : i32
        %add3A_209 = arith.addi %mul3A_177, %add3A_208 : i32
        %multiple_of3A_210 = tpu.assume_multiple %add3A_209, 16 : i32
        %get3A_211 = arith.index_cast %multiple_of3A_210 : i32 to index
        %get3A_212 = tpu.vector_load %arg8[%get3A_211] {strides = array<i32>} : memref<8192xf32, #tpu.memory_space<vmem>>, vector<16xf32>,
        %add3A_213 = arith.constant 112 : i32
        %add3A_214 = arith.addi %mul3A_177, %add3A_213 : i32
        %multiple_of3A_215 = tpu.assume_multiple %add3A_214, 16 : i32
        %get3A_216 = arith.index_cast %multiple_of3A_215 : i32 to index
        %get3A_217 = tpu.vector_load %arg8[%get3A_216] {strides = array<i32>} : memref<8192xf32, #tpu.memory_space<vmem>>, vector<16xf32>,
        %le3A = arith.cmpf ole, %get3A_182, %gather3A_125 : vector<16xf32>
        %le3A_218 = arith.cmpf ole, %get3A_187, %gather3A_125 : vector<16xf32>
        %le3A_219 = arith.cmpf ole, %get3A_192, %gather3A_125 : vector<16xf32>
        %le3A_220 = arith.cmpf ole, %get3A_197, %gather3A_125 : vector<16xf32>
        %le3A_221 = arith.cmpf ole, %get3A_202, %gather3A_125 : vector<16xf32>
        %le3A_222 = arith.cmpf ole, %get3A_207, %gather3A_125 : vector<16xf32>
        %le3A_223 = arith.cmpf ole, %get3A_212, %gather3A_125 : vector<16xf32>
        %le3A_224 = arith.cmpf ole, %get3A_217, %gather3A_125 : vector<16xf32>
        %all_reduce_population_count3A = tpu.all_reduce %le3A {dim = 0 : i64, kind = #tpu.reduction_kind<sum>} : vector<16xi1> -> vector<16xi32>
        %slice3A = vector.extract_strided_slice %all_reduce_population_count3A {offsets = [0], sizes = [1], strides = [1]} : vector<16xi32> to vector<1xi32>
        %squeeze3A = vector.extract %slice3A[0] : i32 from vector<1xi32>
        %all_reduce_population_count3A_225 = tpu.all_reduce %le3A_218 {dim = 0 : i64, kind = #tpu.reduction_kind<sum>} : vector<16xi1> -> vector<16xi32>
        %slice3A_226 = vector.extract_strided_slice %all_reduce_population_count3A_225 {offsets = [0], sizes = [1], strides = [1]} : vector<16xi32> to vector<1xi32>
        %squeeze3A_227 = vector.extract %slice3A_226[0] : i32 from vector<1xi32>
        %all_reduce_population_count3A_228 = tpu.all_reduce %le3A_219 {dim = 0 : i64, kind = #tpu.reduction_kind<sum>} : vector<16xi1> -> vector<16xi32>
        %slice3A_229 = vector.extract_strided_slice %all_reduce_population_count3A_228 {offsets = [0], sizes = [1], strides = [1]} : vector<16xi32> to vector<1xi32>
        %squeeze3A_230 = vector.extract %slice3A_229[0] : i32 from vector<1xi32>
        %all_reduce_population_count3A_231 = tpu.all_reduce %le3A_220 {dim = 0 : i64, kind = #tpu.reduction_kind<sum>} : vector<16xi1> -> vector<16xi32>
        %slice3A_232 = vector.extract_strided_slice %all_reduce_population_count3A_231 {offsets = [0], sizes = [1], strides = [1]} : vector<16xi32> to vector<1xi32>
        %squeeze3A_233 = vector.extract %slice3A_232[0] : i32 from vector<1xi32>
        %all_reduce_population_count3A_234 = tpu.all_reduce %le3A_221 {dim = 0 : i64, kind = #tpu.reduction_kind<sum>} : vector<16xi1> -> vector<16xi32>
        %slice3A_235 = vector.extract_strided_slice %all_reduce_population_count3A_234 {offsets = [0], sizes = [1], strides = [1]} : vector<16xi32> to vector<1xi32>
        %squeeze3A_236 = vector.extract %slice3A_235[0] : i32 from vector<1xi32>
        %all_reduce_population_count3A_237 = tpu.all_reduce %le3A_222 {dim = 0 : i64, kind = #tpu.reduction_kind<sum>} : vector<16xi1> -> vector<16xi32>
        %slice3A_238 = vector.extract_strided_slice %all_reduce_population_count3A_237 {offsets = [0], sizes = [1], strides = [1]} : vector<16xi32> to vector<1xi32>
        %squeeze3A_239 = vector.extract %slice3A_238[0] : i32 from vector<1xi32>
        %all_reduce_population_count3A_240 = tpu.all_reduce %le3A_223 {dim = 0 : i64, kind = #tpu.reduction_kind<sum>} : vector<16xi1> -> vector<16xi32>
        %slice3A_241 = vector.extract_strided_slice %all_reduce_population_count3A_240 {offsets = [0], sizes = [1], strides = [1]} : vector<16xi32> to vector<1xi32>
        %squeeze3A_242 = vector.extract %slice3A_241[0] : i32 from vector<1xi32>
        %all_reduce_population_count3A_243 = tpu.all_reduce %le3A_224 {dim = 0 : i64, kind = #tpu.reduction_kind<sum>} : vector<16xi1> -> vector<16xi32>
        %slice3A_244 = vector.extract_strided_slice %all_reduce_population_count3A_243 {offsets = [0], sizes = [1], strides = [1]} : vector<16xi32> to vector<1xi32>
        %squeeze3A_245 = vector.extract %slice3A_244[0] : i32 from vector<1xi32>
        %add3A_246 = arith.constant 0 : i32
        %add3A_247 = arith.addi %mul3A_177, %add3A_246 : i32
        %add3A_248 = vector.broadcast %add3A_247 : i32 to vector<16xi32>
        %add3A_249 = arith.addi %iota3A, %add3A_248 : vector<16xi32>
        %swap3A_250 = arith.index_cast %scan3A_175 : i32 to index
        %swap3A_251 = tpu.vector_load %arg19[%swap3A_250] masked %le3A {strides = array<i32>} : memref<8192xi32, #tpu.memory_space<vmem>>, vector<16xi32>, vector<16xi1>
        tpu.vector_store %arg19[%swap3A_250], %add3A_249 masked %le3A {strides = array<i32>} : memref<8192xi32, #tpu.memory_space<vmem>>, vector<16xi32>, vector<16xi1>
        %add3A_252 = arith.addi %scan3A_175, %squeeze3A : i32
        %add3A_253 = arith.constant 16 : i32
        %add3A_254 = arith.addi %mul3A_177, %add3A_253 : i32
        %add3A_255 = vector.broadcast %add3A_254 : i32 to vector<16xi32>
        %add3A_256 = arith.addi %iota3A, %add3A_255 : vector<16xi32>
        %swap3A_257 = arith.index_cast %add3A_252 : i32 to index
        %swap3A_258 = tpu.vector_load %arg19[%swap3A_257] masked %le3A_218 {strides = array<i32>} : memref<8192xi32, #tpu.memory_space<vmem>>, vector<16xi32>, vector<16xi1>
        tpu.vector_store %arg19[%swap3A_257], %add3A_256 masked %le3A_218 {strides = array<i32>} : memref<8192xi32, #tpu.memory_space<vmem>>, vector<16xi32>, vector<16xi1>
        %add3A_259 = arith.addi %add3A_252, %squeeze3A_227 : i32
        %add3A_260 = arith.constant 32 : i32
        %add3A_261 = arith.addi %mul3A_177, %add3A_260 : i32
        %add3A_262 = vector.broadcast %add3A_261 : i32 to vector<16xi32>
        %add3A_263 = arith.addi %iota3A, %add3A_262 : vector<16xi32>
        %swap3A_264 = arith.index_cast %add3A_259 : i32 to index
        %swap3A_265 = tpu.vector_load %arg19[%swap3A_264] masked %le3A_219 {strides = array<i32>} : memref<8192xi32, #tpu.memory_space<vmem>>, vector<16xi32>, vector<16xi1>
        tpu.vector_store %arg19[%swap3A_264], %add3A_263 masked %le3A_219 {strides = array<i32>} : memref<8192xi32, #tpu.memory_space<vmem>>, vector<16xi32>, vector<16xi1>
        %add3A_266 = arith.addi %add3A_259, %squeeze3A_230 : i32
        %add3A_267 = arith.constant 48 : i32
        %add3A_268 = arith.addi %mul3A_177, %add3A_267 : i32
        %add3A_269 = vector.broadcast %add3A_268 : i32 to vector<16xi32>
        %add3A_270 = arith.addi %iota3A, %add3A_269 : vector<16xi32>
        %swap3A_271 = arith.index_cast %add3A_266 : i32 to index
        %swap3A_272 = tpu.vector_load %arg19[%swap3A_271] masked %le3A_220 {strides = array<i32>} : memref<8192xi32, #tpu.memory_space<vmem>>, vector<16xi32>, vector<16xi1>
        tpu.vector_store %arg19[%swap3A_271], %add3A_270 masked %le3A_220 {strides = array<i32>} : memref<8192xi32, #tpu.memory_space<vmem>>, vector<16xi32>, vector<16xi1>
        %add3A_273 = arith.addi %add3A_266, %squeeze3A_233 : i32
        %add3A_274 = arith.constant 64 : i32
        %add3A_275 = arith.addi %mul3A_177, %add3A_274 : i32
        %add3A_276 = vector.broadcast %add3A_275 : i32 to vector<16xi32>
        %add3A_277 = arith.addi %iota3A, %add3A_276 : vector<16xi32>
        %swap3A_278 = arith.index_cast %add3A_273 : i32 to index
        %swap3A_279 = tpu.vector_load %arg19[%swap3A_278] masked %le3A_221 {strides = array<i32>} : memref<8192xi32, #tpu.memory_space<vmem>>, vector<16xi32>, vector<16xi1>
        tpu.vector_store %arg19[%swap3A_278], %add3A_277 masked %le3A_221 {strides = array<i32>} : memref<8192xi32, #tpu.memory_space<vmem>>, vector<16xi32>, vector<16xi1>
        %add3A_280 = arith.addi %add3A_273, %squeeze3A_236 : i32
        %add3A_281 = arith.constant 80 : i32
        %add3A_282 = arith.addi %mul3A_177, %add3A_281 : i32
        %add3A_283 = vector.broadcast %add3A_282 : i32 to vector<16xi32>
        %add3A_284 = arith.addi %iota3A, %add3A_283 : vector<16xi32>
        %swap3A_285 = arith.index_cast %add3A_280 : i32 to index
        %swap3A_286 = tpu.vector_load %arg19[%swap3A_285] masked %le3A_222 {strides = array<i32>} : memref<8192xi32, #tpu.memory_space<vmem>>, vector<16xi32>, vector<16xi1>
        tpu.vector_store %arg19[%swap3A_285], %add3A_284 masked %le3A_222 {strides = array<i32>} : memref<8192xi32, #tpu.memory_space<vmem>>, vector<16xi32>, vector<16xi1>
        %add3A_287 = arith.addi %add3A_280, %squeeze3A_239 : i32
        %add3A_288 = arith.constant 96 : i32
        %add3A_289 = arith.addi %mul3A_177, %add3A_288 : i32
        %add3A_290 = vector.broadcast %add3A_289 : i32 to vector<16xi32>
        %add3A_291 = arith.addi %iota3A, %add3A_290 : vector<16xi32>
        %swap3A_292 = arith.index_cast %add3A_287 : i32 to index
        %swap3A_293 = tpu.vector_load %arg19[%swap3A_292] masked %le3A_223 {strides = array<i32>} : memref<8192xi32, #tpu.memory_space<vmem>>, vector<16xi32>, vector<16xi1>
        tpu.vector_store %arg19[%swap3A_292], %add3A_291 masked %le3A_223 {strides = array<i32>} : memref<8192xi32, #tpu.memory_space<vmem>>, vector<16xi32>, vector<16xi1>
        %add3A_294 = arith.addi %add3A_287, %squeeze3A_242 : i32
        %add3A_295 = arith.constant 112 : i32
        %add3A_296 = arith.addi %mul3A_177, %add3A_295 : i32
        %add3A_297 = vector.broadcast %add3A_296 : i32 to vector<16xi32>
        %add3A_298 = arith.addi %iota3A, %add3A_297 : vector<16xi32>
        %swap3A_299 = arith.index_cast %add3A_294 : i32 to index
        %swap3A_300 = tpu.vector_load %arg19[%swap3A_299] masked %le3A_224 {strides = array<i32>} : memref<8192xi32, #tpu.memory_space<vmem>>, vector<16xi32>, vector<16xi1>
        tpu.vector_store %arg19[%swap3A_299], %add3A_298 masked %le3A_224 {strides = array<i32>} : memref<8192xi32, #tpu.memory_space<vmem>>, vector<16xi32>, vector<16xi1>
        %add3A_301 = arith.addi %add3A_294, %squeeze3A_245 : i32
        scf.yield %add3A_301 : i32
      }
      %scan3A_132 = arith.constant 64 : i32
      %get3A_133 = arith.constant 0 : index
      %get3A_134 = tpu.vector_load %arg19[%get3A_133] {strides = array<i32>} : memref<8192xi32, #tpu.memory_space<vmem>>, vector<16xi32>,
      %get3A_135 = arith.constant 16 : index
      %get3A_136 = tpu.vector_load %arg19[%get3A_135] {strides = array<i32>} : memref<8192xi32, #tpu.memory_space<vmem>>, vector<16xi32>,
      %gather3A_137 = tpu.vector_load_idx %arg10[%broadcast_in_dim3A_124] : memref<128xf32, #tpu.memory_space<vmem>>[vector<16xi32>], vector<16xf32>,
      %gather3A_138 = tpu.vector_load_idx %arg11[%broadcast_in_dim3A_124] : memref<128xf32, #tpu.memory_space<vmem>>[vector<16xi32>], vector<16xf32>,
      %gather3A_139 = tpu.vector_load_idx %arg12[%broadcast_in_dim3A_124] : memref<128xf32, #tpu.memory_space<vmem>>[vector<16xi32>], vector<16xf32>,
      %mul3A_140 = arith.constant 32 : i32
      %mul3A_141 = arith.muli %add3A_123, %mul3A_140 : i32
      %multiple_of3A_142 = tpu.assume_multiple %mul3A_141, 32 : i32
      %gather3A_143 = tpu.vector_load_idx %arg13[%get3A_134] : memref<8192xf32, #tpu.memory_space<vmem>>[vector<16xi32>], vector<16xf32>,
      %sub3A_144 = arith.subf %gather3A_143, %gather3A_137 : vector<16xf32>
      %swap3A_145 = arith.index_cast %multiple_of3A_142 : i32 to index
      %swap3A_146 = tpu.vector_load %arg16[%swap3A_145] {strides = array<i32>} : memref<4096xf32, #tpu.memory_space<vmem>>, vector<16xf32>,
      tpu.vector_store %arg16[%swap3A_145], %sub3A_144 {strides = array<i32>} : memref<4096xf32, #tpu.memory_space<vmem>>, vector<16xf32>,
      %gather3A_147 = tpu.vector_load_idx %arg13[%get3A_136] : memref<8192xf32, #tpu.memory_space<vmem>>[vector<16xi32>], vector<16xf32>,
      %sub3A_148 = arith.subf %gather3A_147, %gather3A_137 : vector<16xf32>
      %add3A_149 = arith.constant 16 : i32
      %add3A_150 = arith.addi %multiple_of3A_142, %add3A_149 : i32
      %swap3A_151 = arith.index_cast %add3A_150 : i32 to index
      %swap3A_152 = tpu.vector_load %arg16[%swap3A_151] {strides = array<i32>} : memref<4096xf32, #tpu.memory_space<vmem>>, vector<16xf32>,
      tpu.vector_store %arg16[%swap3A_151], %sub3A_148 {strides = array<i32>} : memref<4096xf32, #tpu.memory_space<vmem>>, vector<16xf32>,
      %gather3A_153 = tpu.vector_load_idx %arg14[%get3A_134] : memref<8192xf32, #tpu.memory_space<vmem>>[vector<16xi32>], vector<16xf32>,
      %sub3A_154 = arith.subf %gather3A_153, %gather3A_138 : vector<16xf32>
      %swap3A_155 = arith.index_cast %multiple_of3A_142 : i32 to index
      %swap3A_156 = tpu.vector_load %arg17[%swap3A_155] {strides = array<i32>} : memref<4096xf32, #tpu.memory_space<vmem>>, vector<16xf32>,
      tpu.vector_store %arg17[%swap3A_155], %sub3A_154 {strides = array<i32>} : memref<4096xf32, #tpu.memory_space<vmem>>, vector<16xf32>,
      %gather3A_157 = tpu.vector_load_idx %arg14[%get3A_136] : memref<8192xf32, #tpu.memory_space<vmem>>[vector<16xi32>], vector<16xf32>,
      %sub3A_158 = arith.subf %gather3A_157, %gather3A_138 : vector<16xf32>
      %add3A_159 = arith.constant 16 : i32
      %add3A_160 = arith.addi %multiple_of3A_142, %add3A_159 : i32
      %swap3A_161 = arith.index_cast %add3A_160 : i32 to index
      %swap3A_162 = tpu.vector_load %arg17[%swap3A_161] {strides = array<i32>} : memref<4096xf32, #tpu.memory_space<vmem>>, vector<16xf32>,
      tpu.vector_store %arg17[%swap3A_161], %sub3A_158 {strides = array<i32>} : memref<4096xf32, #tpu.memory_space<vmem>>, vector<16xf32>,
      %gather3A_163 = tpu.vector_load_idx %arg15[%get3A_134] : memref<8192xf32, #tpu.memory_space<vmem>>[vector<16xi32>], vector<16xf32>,
      %sub3A_164 = arith.subf %gather3A_163, %gather3A_139 : vector<16xf32>
      %swap3A_165 = arith.index_cast %multiple_of3A_142 : i32 to index
      %swap3A_166 = tpu.vector_load %arg18[%swap3A_165] {strides = array<i32>} : memref<4096xf32, #tpu.memory_space<vmem>>, vector<16xf32>,
      tpu.vector_store %arg18[%swap3A_165], %sub3A_164 {strides = array<i32>} : memref<4096xf32, #tpu.memory_space<vmem>>, vector<16xf32>,
      %gather3A_167 = tpu.vector_load_idx %arg15[%get3A_136] : memref<8192xf32, #tpu.memory_space<vmem>>[vector<16xi32>], vector<16xf32>,
      %sub3A_168 = arith.subf %gather3A_167, %gather3A_139 : vector<16xf32>
      %add3A_169 = arith.constant 16 : i32
      %add3A_170 = arith.addi %multiple_of3A_142, %add3A_169 : i32
      %swap3A_171 = arith.index_cast %add3A_170 : i32 to index
      %swap3A_172 = tpu.vector_load %arg18[%swap3A_171] {strides = array<i32>} : memref<4096xf32, #tpu.memory_space<vmem>>, vector<16xf32>,
      tpu.vector_store %arg18[%swap3A_171], %sub3A_168 {strides = array<i32>} : memref<4096xf32, #tpu.memory_space<vmem>>, vector<16xf32>,
      %scan3A_173 = arith.constant 0 : i32
      scf.yield %scan3A_173 : i32
    }
    %scan3A_41 = arith.constant 64 : i32
    %mul3A_42 = arith.constant 4096 : i32
    %mul3A_43 = arith.muli %add3A, %mul3A_42 : i32
    "tpu.region"() ({
      %run_scoped3A = tpu.sem_alloc : memref<!tpu.dma_semaphore, #tpu.memory_space<semaphore_mem>>
      %dma_start3A_48 = tpu.memref_slice %arg6[%mul3A_43] : memref<393216xf32, #tpu.memory_space<hbm>> -> memref<4096xf32, #tpu.memory_space<hbm>>
      %dma_start3A_49 = tpu.memref_slice %arg6[%mul3A_43] : memref<393216xf32, #tpu.memory_space<hbm>> -> memref<4096xf32, #tpu.memory_space<hbm>>
      tpu.enqueue_dma source(%arg16 : memref<4096xf32, #tpu.memory_space<vmem>>) target(%dma_start3A_49 : memref<4096xf32, #tpu.memory_space<hbm>>) target_semaphore(%run_scoped3A : memref<!tpu.dma_semaphore, #tpu.memory_space<semaphore_mem>>)
      %dma_wait3A = tpu.memref_slice %arg6[%mul3A_43] : memref<393216xf32, #tpu.memory_space<hbm>> -> memref<4096xf32, #tpu.memory_space<hbm>>
      %dma_wait3A_50 = tpu.memref_slice %arg6[%mul3A_43] : memref<393216xf32, #tpu.memory_space<hbm>> -> memref<4096xf32, #tpu.memory_space<hbm>>
      tpu.wait_dma2 semaphore(%run_scoped3A : memref<!tpu.dma_semaphore, #tpu.memory_space<semaphore_mem>>) src(%arg16 : memref<4096xf32, #tpu.memory_space<vmem>>) dst(%dma_wait3A_50 : memref<4096xf32, #tpu.memory_space<hbm>>)
      tpu.yield
    }) : () -> ()
    %add3A_44 = arith.constant 131072 : i32
    %add3A_45 = arith.addi %add3A_44, %mul3A_43 : i32
    "tpu.region"() ({
      %run_scoped3A = tpu.sem_alloc : memref<!tpu.dma_semaphore, #tpu.memory_space<semaphore_mem>>
      %dma_start3A_48 = tpu.memref_slice %arg6[%add3A_45] : memref<393216xf32, #tpu.memory_space<hbm>> -> memref<4096xf32, #tpu.memory_space<hbm>>
      %dma_start3A_49 = tpu.memref_slice %arg6[%add3A_45] : memref<393216xf32, #tpu.memory_space<hbm>> -> memref<4096xf32, #tpu.memory_space<hbm>>
      tpu.enqueue_dma source(%arg17 : memref<4096xf32, #tpu.memory_space<vmem>>) target(%dma_start3A_49 : memref<4096xf32, #tpu.memory_space<hbm>>) target_semaphore(%run_scoped3A : memref<!tpu.dma_semaphore, #tpu.memory_space<semaphore_mem>>)
      %dma_wait3A = tpu.memref_slice %arg6[%add3A_45] : memref<393216xf32, #tpu.memory_space<hbm>> -> memref<4096xf32, #tpu.memory_space<hbm>>
      %dma_wait3A_50 = tpu.memref_slice %arg6[%add3A_45] : memref<393216xf32, #tpu.memory_space<hbm>> -> memref<4096xf32, #tpu.memory_space<hbm>>
      tpu.wait_dma2 semaphore(%run_scoped3A : memref<!tpu.dma_semaphore, #tpu.memory_space<semaphore_mem>>) src(%arg17 : memref<4096xf32, #tpu.memory_space<vmem>>) dst(%dma_wait3A_50 : memref<4096xf32, #tpu.memory_space<hbm>>)
      tpu.yield
    }) : () -> ()
    %add3A_46 = arith.constant 262144 : i32
    %add3A_47 = arith.addi %add3A_46, %mul3A_43 : i32
    "tpu.region"() ({
      %run_scoped3A = tpu.sem_alloc : memref<!tpu.dma_semaphore, #tpu.memory_space<semaphore_mem>>
      %dma_start3A_48 = tpu.memref_slice %arg6[%add3A_47] : memref<393216xf32, #tpu.memory_space<hbm>> -> memref<4096xf32, #tpu.memory_space<hbm>>
      %dma_start3A_49 = tpu.memref_slice %arg6[%add3A_47] : memref<393216xf32, #tpu.memory_space<hbm>> -> memref<4096xf32, #tpu.memory_space<hbm>>
      tpu.enqueue_dma source(%arg18 : memref<4096xf32, #tpu.memory_space<vmem>>) target(%dma_start3A_49 : memref<4096xf32, #tpu.memory_space<hbm>>) target_semaphore(%run_scoped3A : memref<!tpu.dma_semaphore, #tpu.memory_space<semaphore_mem>>)
      %dma_wait3A = tpu.memref_slice %arg6[%add3A_47] : memref<393216xf32, #tpu.memory_space<hbm>> -> memref<4096xf32, #tpu.memory_space<hbm>>
      %dma_wait3A_50 = tpu.memref_slice %arg6[%add3A_47] : memref<393216xf32, #tpu.memory_space<hbm>> -> memref<4096xf32, #tpu.memory_space<hbm>>
      tpu.wait_dma2 semaphore(%run_scoped3A : memref<!tpu.dma_semaphore, #tpu.memory_space<semaphore_mem>>) src(%arg18 : memref<4096xf32, #tpu.memory_space<vmem>>) dst(%dma_wait3A_50 : memref<4096xf32, #tpu.memory_space<hbm>>)
      tpu.yield
    }) : () -> ()
    return
  }
}

module attributes {stable_mosaic.version = 14 : i64} {
  func.func @_fps_body(%arg0: memref<8x3x8192xf32, #tpu.memory_space<vmem>>, %arg1: memref<8x1xi32, #tpu.memory_space<vmem>>, %arg2: memref<8x512xf32, #tpu.memory_space<vmem>>, %arg3: memref<8x512xf32, #tpu.memory_space<vmem>>, %arg4: memref<8x512xf32, #tpu.memory_space<vmem>>) attributes {dimension_semantics = [], scalar_prefetch = 0 : i64, scratch_operands = 0 : i64, tpu.core_type = #tpu.core_type<tc>} {
    %get3A = arith.constant 0 : index
    %get3A_0 = arith.constant 0 : index
    %get3A_1 = arith.constant 0 : index
    %get3A_2 = vector.load %arg0[%get3A, %get3A_0, %get3A_1] : memref<8x3x8192xf32, #tpu.memory_space<vmem>>, vector<8x1x8192xf32>
    %get3A_3 = vector.shape_cast %get3A_2 : vector<8x1x8192xf32> to vector<8x8192xf32>
    %get3A_4 = arith.constant 0 : index
    %get3A_5 = arith.constant 1 : index
    %get3A_6 = arith.constant 0 : index
    %get3A_7 = vector.load %arg0[%get3A_4, %get3A_5, %get3A_6] : memref<8x3x8192xf32, #tpu.memory_space<vmem>>, vector<8x1x8192xf32>
    %get3A_8 = vector.shape_cast %get3A_7 : vector<8x1x8192xf32> to vector<8x8192xf32>
    %get3A_9 = arith.constant 0 : index
    %get3A_10 = arith.constant 2 : index
    %get3A_11 = arith.constant 0 : index
    %get3A_12 = vector.load %arg0[%get3A_9, %get3A_10, %get3A_11] : memref<8x3x8192xf32, #tpu.memory_space<vmem>>, vector<8x1x8192xf32>
    %get3A_13 = vector.shape_cast %get3A_12 : vector<8x1x8192xf32> to vector<8x8192xf32>
    %iota3A = tpu.iota {dimensions = array<i32: 1>} : vector<8x8192xi32>
    %iota3A_14 = tpu.iota {dimensions = array<i32: 1>} : vector<8x512xi32>
    %broadcast_in_dim3A = arith.constant 1.000000e+10 : f32
    %broadcast_in_dim3A_15 = vector.broadcast %broadcast_in_dim3A : f32 to vector<8x8192xf32>
    %get3A_16 = arith.constant 0 : index
    %get3A_17 = arith.constant 0 : index
    %get3A_18 = vector.load %arg1[%get3A_16, %get3A_17] : memref<8x1xi32, #tpu.memory_space<vmem>>, vector<8x1xi32>
    %broadcast_in_dim3A_19 = arith.constant 0.000000e+00 : f32
    %broadcast_in_dim3A_20 = vector.broadcast %broadcast_in_dim3A_19 : f32 to vector<8x512xf32>
    %scan3A = arith.constant 0 : i32
    %scan3A_21 = arith.constant 512 : i32
    %scan3A_22 = arith.addi %scan3A, %scan3A_21 : i32
    %scan3A_23 = arith.constant 1 : i32
    %scan3A_24:5 = scf.for %scan3A_34 = %scan3A to %scan3A_22 step %scan3A_23 iter_args(%scan3A_35 = %broadcast_in_dim3A_15, %scan3A_36 = %get3A_18, %scan3A_37 = %broadcast_in_dim3A_20, %scan3A_38 = %broadcast_in_dim3A_20, %scan3A_39 = %broadcast_in_dim3A_20) -> (vector<8x8192xf32>, vector<8x1xi32>, vector<8x512xf32>, vector<8x512xf32>, vector<8x512xf32>)  : i32 {
      %eq3A = vector.broadcast %scan3A_36 : vector<8x1xi32> to vector<8x8192xi32>
      %eq3A_40 = arith.cmpi eq, %iota3A, %eq3A : vector<8x8192xi32>
      %convert_element_type3A = arith.extui %eq3A_40 : vector<8x8192xi1> to vector<8x8192xi32>
      %convert_element_type3A_41 = arith.sitofp %convert_element_type3A : vector<8x8192xi32> to vector<8x8192xf32>
      %mul3A = arith.mulf %get3A_3, %convert_element_type3A_41 : vector<8x8192xf32>
      %reduce_sum3A = arith.constant dense<0.000000e+00> : vector<8xf32>
      %reduce_sum3A_42 = vector.multi_reduction <add>, %mul3A, %reduce_sum3A [1] : vector<8x8192xf32> to vector<8xf32>
      %broadcast_in_dim3A_43 = vector.shape_cast %reduce_sum3A_42 : vector<8xf32> to vector<8x1xf32>
      %mul3A_44 = arith.mulf %get3A_8, %convert_element_type3A_41 : vector<8x8192xf32>
      %reduce_sum3A_45 = arith.constant dense<0.000000e+00> : vector<8xf32>
      %reduce_sum3A_46 = vector.multi_reduction <add>, %mul3A_44, %reduce_sum3A_45 [1] : vector<8x8192xf32> to vector<8xf32>
      %broadcast_in_dim3A_47 = vector.shape_cast %reduce_sum3A_46 : vector<8xf32> to vector<8x1xf32>
      %mul3A_48 = arith.mulf %get3A_13, %convert_element_type3A_41 : vector<8x8192xf32>
      %reduce_sum3A_49 = arith.constant dense<0.000000e+00> : vector<8xf32>
      %reduce_sum3A_50 = vector.multi_reduction <add>, %mul3A_48, %reduce_sum3A_49 [1] : vector<8x8192xf32> to vector<8xf32>
      %broadcast_in_dim3A_51 = vector.shape_cast %reduce_sum3A_50 : vector<8xf32> to vector<8x1xf32>
      %eq3A_52 = vector.broadcast %scan3A_34 : i32 to vector<8x512xi32>
      %eq3A_53 = arith.cmpi eq, %iota3A_14, %eq3A_52 : vector<8x512xi32>
      %broadcast_in_dim3A_54 = vector.shape_cast %broadcast_in_dim3A_43 : vector<8x1xf32> to vector<8x1xf32>
      %broadcast_in_dim3A_55 = vector.broadcast %broadcast_in_dim3A_54 : vector<8x1xf32> to vector<8x512xf32>
      %select_n3A = arith.select %eq3A_53, %broadcast_in_dim3A_55, %scan3A_37 : vector<8x512xi1>, vector<8x512xf32>
      %broadcast_in_dim3A_56 = vector.shape_cast %broadcast_in_dim3A_47 : vector<8x1xf32> to vector<8x1xf32>
      %broadcast_in_dim3A_57 = vector.broadcast %broadcast_in_dim3A_56 : vector<8x1xf32> to vector<8x512xf32>
      %select_n3A_58 = arith.select %eq3A_53, %broadcast_in_dim3A_57, %scan3A_38 : vector<8x512xi1>, vector<8x512xf32>
      %broadcast_in_dim3A_59 = vector.shape_cast %broadcast_in_dim3A_51 : vector<8x1xf32> to vector<8x1xf32>
      %broadcast_in_dim3A_60 = vector.broadcast %broadcast_in_dim3A_59 : vector<8x1xf32> to vector<8x512xf32>
      %select_n3A_61 = arith.select %eq3A_53, %broadcast_in_dim3A_60, %scan3A_39 : vector<8x512xi1>, vector<8x512xf32>
      %sub3A = vector.broadcast %broadcast_in_dim3A_43 : vector<8x1xf32> to vector<8x8192xf32>
      %sub3A_62 = arith.subf %get3A_3, %sub3A : vector<8x8192xf32>
      %sub3A_63 = vector.broadcast %broadcast_in_dim3A_47 : vector<8x1xf32> to vector<8x8192xf32>
      %sub3A_64 = arith.subf %get3A_8, %sub3A_63 : vector<8x8192xf32>
      %sub3A_65 = vector.broadcast %broadcast_in_dim3A_51 : vector<8x1xf32> to vector<8x8192xf32>
      %sub3A_66 = arith.subf %get3A_13, %sub3A_65 : vector<8x8192xf32>
      %mul3A_67 = arith.mulf %sub3A_62, %sub3A_62 : vector<8x8192xf32>
      %mul3A_68 = arith.mulf %sub3A_64, %sub3A_64 : vector<8x8192xf32>
      %add3A = arith.addf %mul3A_67, %mul3A_68 : vector<8x8192xf32>
      %mul3A_69 = arith.mulf %sub3A_66, %sub3A_66 : vector<8x8192xf32>
      %add3A_70 = arith.addf %add3A, %mul3A_69 : vector<8x8192xf32>
      %lt3A = arith.cmpf olt, %add3A_70, %scan3A_35 : vector<8x8192xf32>
      %select_n3A_71 = arith.select %lt3A, %add3A_70, %scan3A_35 : vector<8x8192xi1>, vector<8x8192xf32>
      %reduce_max3A = arith.constant dense<0xFF800000> : vector<8xf32>
      %reduce_max3A_72 = vector.multi_reduction <maximumf>, %select_n3A_71, %reduce_max3A [1] : vector<8x8192xf32> to vector<8xf32>
      %broadcast_in_dim3A_73 = vector.shape_cast %reduce_max3A_72 : vector<8xf32> to vector<8x1xf32>
      %eq3A_74 = vector.broadcast %broadcast_in_dim3A_73 : vector<8x1xf32> to vector<8x8192xf32>
      %eq3A_75 = arith.cmpf oeq, %select_n3A_71, %eq3A_74 : vector<8x8192xf32>
      %jit3A = arith.constant 8192 : i32
      %broadcast_in_dim3A_76 = vector.broadcast %jit3A : i32 to vector<8x8192xi32>
      %select_n3A_77 = arith.select %eq3A_75, %iota3A, %broadcast_in_dim3A_76 : vector<8x8192xi1>, vector<8x8192xi32>
      %reduce_min3A = arith.constant dense<2147483647> : vector<8xi32>
      %reduce_min3A_78 = vector.multi_reduction <minsi>, %select_n3A_77, %reduce_min3A [1] : vector<8x8192xi32> to vector<8xi32>
      %broadcast_in_dim3A_79 = vector.shape_cast %reduce_min3A_78 : vector<8xi32> to vector<8x1xi32>
      scf.yield %select_n3A_71, %broadcast_in_dim3A_79, %select_n3A, %select_n3A_58, %select_n3A_61 : vector<8x8192xf32>, vector<8x1xi32>, vector<8x512xf32>, vector<8x512xf32>, vector<8x512xf32>
    }
    %scan3A_25 = arith.constant 512 : i32
    %swap3A = arith.constant 0 : index
    %swap3A_26 = arith.constant 0 : index
    %swap3A_27 = vector.load %arg2[%swap3A, %swap3A_26] : memref<8x512xf32, #tpu.memory_space<vmem>>, vector<8x512xf32>
    tpu.vector_store %arg2[%swap3A, %swap3A_26], %scan3A_24#2 {strides = array<i32>} : memref<8x512xf32, #tpu.memory_space<vmem>>, vector<8x512xf32>,
    %swap3A_28 = arith.constant 0 : index
    %swap3A_29 = arith.constant 0 : index
    %swap3A_30 = vector.load %arg3[%swap3A_28, %swap3A_29] : memref<8x512xf32, #tpu.memory_space<vmem>>, vector<8x512xf32>
    tpu.vector_store %arg3[%swap3A_28, %swap3A_29], %scan3A_24#3 {strides = array<i32>} : memref<8x512xf32, #tpu.memory_space<vmem>>, vector<8x512xf32>,
    %swap3A_31 = arith.constant 0 : index
    %swap3A_32 = arith.constant 0 : index
    %swap3A_33 = vector.load %arg4[%swap3A_31, %swap3A_32] : memref<8x512xf32, #tpu.memory_space<vmem>>, vector<8x512xf32>
    tpu.vector_store %arg4[%swap3A_31, %swap3A_32], %scan3A_24#4 {strides = array<i32>} : memref<8x512xf32, #tpu.memory_space<vmem>>, vector<8x512xf32>,
    return
  }
}

module attributes {stable_mosaic.version = 14 : i64} {
  func.func @_d2thr_body(%arg0: i32, %arg1: i32, %arg2: memref<1x256x3xf32, #tpu.memory_space<vmem>>, %arg3: memref<1x3x8192xf32, #tpu.memory_space<vmem>>, %arg4: memref<1x256x64x128xf32, #tpu.memory_space<vmem>>, %arg5: memref<1x256x1xf32, #tpu.memory_space<vmem>>) attributes {dimension_semantics = [#tpu.dimension_semantics<arbitrary>, #tpu.dimension_semantics<arbitrary>], iteration_bounds = array<i64: 8, 2>, scalar_prefetch = 0 : i64, scratch_operands = 0 : i64, tpu.core_type = #tpu.core_type<tc>, window_params = [{transform_indices = @transform_0, window_bounds = array<i64: 1, 256, 3>}, {transform_indices = @transform_1, window_bounds = array<i64: 1, 3, 8192>}, {transform_indices = @transform_2, window_bounds = array<i64: 1, 256, 64, 128>}, {transform_indices = @transform_3, window_bounds = array<i64: 1, 256, 1>}]} {
    %get3A = arith.constant 0 : index
    %get3A_0 = arith.constant 0 : index
    %get3A_1 = arith.constant 0 : index
    %get3A_2 = vector.load %arg2[%get3A, %get3A_0, %get3A_1] : memref<1x256x3xf32, #tpu.memory_space<vmem>>, vector<1x256x3xf32>
    %get3A_3 = vector.shape_cast %get3A_2 : vector<1x256x3xf32> to vector<256x3xf32>
    %get3A_4 = arith.constant 0 : index
    %get3A_5 = arith.constant 0 : index
    %get3A_6 = arith.constant 0 : index
    %get3A_7 = vector.load %arg3[%get3A_4, %get3A_5, %get3A_6] : memref<1x3x8192xf32, #tpu.memory_space<vmem>>, vector<1x3x8192xf32>
    %get3A_8 = vector.shape_cast %get3A_7 : vector<1x3x8192xf32> to vector<3x8192xf32>
    %dot_general3A = arith.constant dense<0.000000e+00> : vector<256x8192xf32>
    %dot_general3A_9 = tpu.matmul %get3A_3, %get3A_8, %dot_general3A {dimension_numbers = #tpu.dot_dimension_numbers<[1], [0], [0], [1], [0, 0, 1, 1], [], []>, transpose_lhs_hint = false} : vector<256x3xf32>, vector<3x8192xf32>, vector<256x8192xf32> -> vector<256x8192xf32>
    %mul3A = arith.mulf %get3A_8, %get3A_8 : vector<3x8192xf32>
    %reduce_sum3A = arith.constant dense<0.000000e+00> : vector<8192xf32>
    %reduce_sum3A_10 = vector.multi_reduction <add>, %mul3A, %reduce_sum3A [0] : vector<3x8192xf32> to vector<8192xf32>
    %broadcast_in_dim3A = vector.shape_cast %reduce_sum3A_10 : vector<8192xf32> to vector<1x8192xf32>
    %mul3A_11 = arith.mulf %get3A_3, %get3A_3 : vector<256x3xf32>
    %reduce_sum3A_12 = arith.constant dense<0.000000e+00> : vector<256xf32>
    %reduce_sum3A_13 = vector.multi_reduction <add>, %mul3A_11, %reduce_sum3A_12 [1] : vector<256x3xf32> to vector<256xf32>
    %broadcast_in_dim3A_14 = vector.shape_cast %reduce_sum3A_13 : vector<256xf32> to vector<256x1xf32>
    %add3A = vector.broadcast %broadcast_in_dim3A_14 : vector<256x1xf32> to vector<256x8192xf32>
    %add3A_15 = vector.broadcast %broadcast_in_dim3A : vector<1x8192xf32> to vector<256x8192xf32>
    %add3A_16 = arith.addf %add3A, %add3A_15 : vector<256x8192xf32>
    %mul3A_17 = arith.constant 2.000000e+00 : f32
    %mul3A_18 = vector.broadcast %mul3A_17 : f32 to vector<256x8192xf32>
    %mul3A_19 = arith.mulf %mul3A_18, %dot_general3A_9 : vector<256x8192xf32>
    %sub3A = arith.subf %add3A_16, %mul3A_19 : vector<256x8192xf32>
    %reshape3A = vector.shape_cast %sub3A : vector<256x8192xf32> to vector<256x64x128xf32>
    %swap3A = arith.constant 0 : index
    %swap3A_20 = arith.constant 0 : index
    %swap3A_21 = arith.constant 0 : index
    %swap3A_22 = arith.constant 0 : index
    %swap3A_23 = vector.load %arg4[%swap3A, %swap3A_20, %swap3A_21, %swap3A_22] : memref<1x256x64x128xf32, #tpu.memory_space<vmem>>, vector<1x256x64x128xf32>
    %swap3A_24 = vector.shape_cast %swap3A_23 : vector<1x256x64x128xf32> to vector<256x64x128xf32>
    %swap3A_25 = vector.shape_cast %reshape3A : vector<256x64x128xf32> to vector<1x256x64x128xf32>
    tpu.vector_store %arg4[%swap3A, %swap3A_20, %swap3A_21, %swap3A_22], %swap3A_25 {strides = array<i32>} : memref<1x256x64x128xf32, #tpu.memory_space<vmem>>, vector<1x256x64x128xf32>,
    %broadcast_in_dim3A_26 = arith.constant 1.000000e+00 : f32
    %broadcast_in_dim3A_27 = vector.broadcast %broadcast_in_dim3A_26 : f32 to vector<8192x1xf32>
    %reshape3A_28 = vector.shape_cast %sub3A : vector<256x8192xf32> to vector<256x32x256xf32>
    %reduce_min3A = arith.constant dense<0x7F800000> : vector<256x32xf32>
    %reduce_min3A_29 = vector.multi_reduction <minimumf>, %reshape3A_28, %reduce_min3A [2] : vector<256x32x256xf32> to vector<256x32xf32>
    %reduce_max3A = arith.constant dense<0xFF800000> : vector<256xf32>
    %reduce_max3A_30 = vector.multi_reduction <maximumf>, %reduce_min3A_29, %reduce_max3A [1] : vector<256x32xf32> to vector<256xf32>
    %broadcast_in_dim3A_31 = vector.shape_cast %reduce_max3A_30 : vector<256xf32> to vector<256x1xf32>
    %reduce_min3A_32 = arith.constant dense<0x7F800000> : vector<256xf32>
    %reduce_min3A_33 = vector.multi_reduction <minimumf>, %reduce_min3A_29, %reduce_min3A_32 [1] : vector<256x32xf32> to vector<256xf32>
    %broadcast_in_dim3A_34 = vector.shape_cast %reduce_min3A_33 : vector<256xf32> to vector<256x1xf32>
    %sub3A_35 = arith.constant 1.000000e+00 : f32
    %sub3A_36 = vector.broadcast %sub3A_35 : f32 to vector<256x1xf32>
    %sub3A_37 = arith.subf %broadcast_in_dim3A_34, %sub3A_36 : vector<256x1xf32>
    %broadcast_in_dim3A_38 = arith.constant 0.000000e+00 : f32
    %broadcast_in_dim3A_39 = vector.broadcast %broadcast_in_dim3A_38 : f32 to vector<256x1xf32>
    %scan3A = arith.constant 3.200000e+01 : f32
    %scan3A_40 = arith.constant 0 : i32
    %scan3A_41 = arith.constant 26 : i32
    %scan3A_42 = arith.addi %scan3A_40, %scan3A_41 : i32
    %scan3A_43 = arith.constant 1 : i32
    %scan3A_44:4 = scf.for %scan3A_53 = %scan3A_40 to %scan3A_42 step %scan3A_43 iter_args(%scan3A_54 = %sub3A_37, %scan3A_55 = %broadcast_in_dim3A_31, %scan3A_56 = %broadcast_in_dim3A_31, %scan3A_57 = %broadcast_in_dim3A_39) -> (vector<256x1xf32>, vector<256x1xf32>, vector<256x1xf32>, vector<256x1xf32>)  : i32 {
      %add3A_58 = arith.addf %scan3A_54, %scan3A_55 : vector<256x1xf32>
      %mul3A_59 = arith.constant 5.000000e-01 : f32
      %mul3A_60 = vector.broadcast %mul3A_59 : f32 to vector<256x1xf32>
      %mul3A_61 = arith.mulf %mul3A_60, %add3A_58 : vector<256x1xf32>
      %le3A = vector.broadcast %mul3A_61 : vector<256x1xf32> to vector<256x8192xf32>
      %le3A_62 = arith.cmpf ole, %sub3A, %le3A : vector<256x8192xf32>
      %convert_element_type3A = arith.extui %le3A_62 : vector<256x8192xi1> to vector<256x8192xi32>
      %convert_element_type3A_63 = arith.sitofp %convert_element_type3A : vector<256x8192xi32> to vector<256x8192xf32>
      %dot_general3A_64 = arith.constant dense<0.000000e+00> : vector<256x1xf32>
      %dot_general3A_65 = tpu.matmul %convert_element_type3A_63, %broadcast_in_dim3A_27, %dot_general3A_64 {dimension_numbers = #tpu.dot_dimension_numbers<[1], [0], [0], [1], [0, 0, 1, 1], [], []>, transpose_lhs_hint = false} : vector<256x8192xf32>, vector<8192x1xf32>, vector<256x1xf32> -> vector<256x1xf32>
      %eq3A = arith.constant 0.000000e+00 : f32
      %eq3A_66 = vector.broadcast %eq3A : f32 to vector<256x1xf32>
      %eq3A_67 = arith.cmpf oeq, %scan3A_57, %eq3A_66 : vector<256x1xf32>
      %eq3A_68 = vector.broadcast %scan3A : f32 to vector<256x1xf32>
      %eq3A_69 = arith.cmpf oeq, %dot_general3A_65, %eq3A_68 : vector<256x1xf32>
      %and3A = arith.andi %eq3A_69, %eq3A_67 : vector<256x1xi1>
      %select_n3A_70 = arith.select %and3A, %mul3A_61, %scan3A_56 : vector<256x1xi1>, vector<256x1xf32>
      %jit3A = arith.constant 1.000000e+00 : f32
      %broadcast_in_dim3A_71 = vector.broadcast %jit3A : f32 to vector<256x1xf32>
      %select_n3A_72 = arith.select %and3A, %broadcast_in_dim3A_71, %scan3A_57 : vector<256x1xi1>, vector<256x1xf32>
      %ge3A = vector.broadcast %scan3A : f32 to vector<256x1xf32>
      %ge3A_73 = arith.cmpf oge, %dot_general3A_65, %ge3A : vector<256x1xf32>
      %not3A = arith.constant dense<true> : vector<256x1xi1>
      %not3A_74 = arith.xori %and3A, %not3A : vector<256x1xi1>
      %and3A_75 = arith.andi %eq3A_67, %not3A_74 : vector<256x1xi1>
      %and3A_76 = arith.andi %and3A_75, %ge3A_73 : vector<256x1xi1>
      %select_n3A_77 = arith.select %and3A_76, %mul3A_61, %scan3A_55 : vector<256x1xi1>, vector<256x1xf32>
      %not3A_78 = arith.constant dense<true> : vector<256x1xi1>
      %not3A_79 = arith.xori %ge3A_73, %not3A_78 : vector<256x1xi1>
      %and3A_80 = arith.andi %and3A_75, %not3A_79 : vector<256x1xi1>
      %select_n3A_81 = arith.select %and3A_80, %mul3A_61, %scan3A_54 : vector<256x1xi1>, vector<256x1xf32>
      scf.yield %select_n3A_81, %select_n3A_77, %select_n3A_70, %select_n3A_72 : vector<256x1xf32>, vector<256x1xf32>, vector<256x1xf32>, vector<256x1xf32>
    }
    %gt3A = arith.constant 0.000000e+00 : f32
    %gt3A_45 = vector.broadcast %gt3A : f32 to vector<256x1xf32>
    %gt3A_46 = arith.cmpf ogt, %scan3A_44#3, %gt3A_45 : vector<256x1xf32>
    %select_n3A = arith.select %gt3A_46, %scan3A_44#2, %scan3A_44#1 : vector<256x1xi1>, vector<256x1xf32>
    %swap3A_47 = arith.constant 0 : index
    %swap3A_48 = arith.constant 0 : index
    %swap3A_49 = arith.constant 0 : index
    %swap3A_50 = vector.load %arg5[%swap3A_47, %swap3A_48, %swap3A_49] : memref<1x256x1xf32, #tpu.memory_space<vmem>>, vector<1x256x1xf32>
    %swap3A_51 = vector.shape_cast %swap3A_50 : vector<1x256x1xf32> to vector<256x1xf32>
    %swap3A_52 = vector.shape_cast %select_n3A : vector<256x1xf32> to vector<1x256x1xf32>
    tpu.vector_store %arg5[%swap3A_47, %swap3A_48, %swap3A_49], %swap3A_52 {strides = array<i32>} : memref<1x256x1xf32, #tpu.memory_space<vmem>>, vector<1x256x1xf32>,
    return
  }
  func.func @transform_0(%arg0: i32, %arg1: i32) -> (i32, i32, i32) {
    %c0_i32 = arith.constant 0 : i32
    %c0_i32_0 = arith.constant 0 : i32
    return %arg0, %arg1, %c0_i32 : i32, i32, i32
  }
  func.func @transform_1(%arg0: i32, %arg1: i32) -> (i32, i32, i32) {
    %c0_i32 = arith.constant 0 : i32
    %c0_i32_0 = arith.constant 0 : i32
    %c0_i32_1 = arith.constant 0 : i32
    return %arg0, %c0_i32, %c0_i32_0 : i32, i32, i32
  }
  func.func @transform_2(%arg0: i32, %arg1: i32) -> (i32, i32, i32, i32) {
    %c0_i32 = arith.constant 0 : i32
    %c0_i32_0 = arith.constant 0 : i32
    %c0_i32_1 = arith.constant 0 : i32
    return %arg0, %arg1, %c0_i32, %c0_i32_0 : i32, i32, i32, i32
  }
  func.func @transform_3(%arg0: i32, %arg1: i32) -> (i32, i32, i32) {
    %c0_i32 = arith.constant 0 : i32
    %c0_i32_0 = arith.constant 0 : i32
    return %arg0, %arg1, %c0_i32 : i32, i32, i32
  }
}

module attributes {stable_mosaic.version = 14 : i64} {
  func.func @_mlp_body(%arg0: i32, %arg1: i32, %arg2: memref<3x2048xf32, #tpu.memory_space<vmem>>, %arg3: memref<64x3xf32, #tpu.memory_space<vmem>>, %arg4: memref<1x64xf32, #tpu.memory_space<vmem>>, %arg5: memref<1x64xf32, #tpu.memory_space<vmem>>, %arg6: memref<1x64xf32, #tpu.memory_space<vmem>>, %arg7: memref<128x64xf32, #tpu.memory_space<vmem>>, %arg8: memref<1x128xf32, #tpu.memory_space<vmem>>, %arg9: memref<1x128xf32, #tpu.memory_space<vmem>>, %arg10: memref<1x128xf32, #tpu.memory_space<vmem>>, %arg11: memref<384x128xf32, #tpu.memory_space<vmem>>, %arg12: memref<1x384xf32, #tpu.memory_space<vmem>>, %arg13: memref<1x384xf32, #tpu.memory_space<vmem>>, %arg14: memref<1x384xf32, #tpu.memory_space<vmem>>, %arg15: memref<64x384xf32, #tpu.memory_space<vmem>>, %arg16: memref<1x64xf32, #tpu.memory_space<vmem>>, %arg17: memref<1x64xf32, #tpu.memory_space<vmem>>, %arg18: memref<1x128xf32, #tpu.memory_space<vmem>>, %arg19: memref<1x128xf32, #tpu.memory_space<vmem>>, %arg20: memref<1x384xf32, #tpu.memory_space<vmem>>, %arg21: memref<1x384xf32, #tpu.memory_space<vmem>>, %arg22: memref<4096x384xf32, #tpu.memory_space<vmem>>, %arg23: memref<4096x384xf32, #tpu.memory_space<vmem>>) attributes {dimension_semantics = [#tpu.dimension_semantics<arbitrary>, #tpu.dimension_semantics<arbitrary>], iteration_bounds = array<i64: 4, 64>, scalar_prefetch = 0 : i64, scratch_operands = 8 : i64, tpu.core_type = #tpu.core_type<tc>, window_params = [{transform_indices = @transform_0, window_bounds = array<i64: 3, 2048>}, {pipeline_mode = #tpu.pipeline_mode<synchronous>, transform_indices = @transform_1, window_bounds = array<i64: 64, 3>}, {pipeline_mode = #tpu.pipeline_mode<synchronous>, transform_indices = @transform_2, window_bounds = array<i64: 1, 64>}, {pipeline_mode = #tpu.pipeline_mode<synchronous>, transform_indices = @transform_3, window_bounds = array<i64: 1, 64>}, {pipeline_mode = #tpu.pipeline_mode<synchronous>, transform_indices = @transform_4, window_bounds = array<i64: 1, 64>}, {pipeline_mode = #tpu.pipeline_mode<synchronous>, transform_indices = @transform_5, window_bounds = array<i64: 128, 64>}, {pipeline_mode = #tpu.pipeline_mode<synchronous>, transform_indices = @transform_6, window_bounds = array<i64: 1, 128>}, {pipeline_mode = #tpu.pipeline_mode<synchronous>, transform_indices = @transform_7, window_bounds = array<i64: 1, 128>}, {pipeline_mode = #tpu.pipeline_mode<synchronous>, transform_indices = @transform_8, window_bounds = array<i64: 1, 128>}, {pipeline_mode = #tpu.pipeline_mode<synchronous>, transform_indices = @transform_9, window_bounds = array<i64: 384, 128>}, {pipeline_mode = #tpu.pipeline_mode<synchronous>, transform_indices = @transform_10, window_bounds = array<i64: 1, 384>}, {pipeline_mode = #tpu.pipeline_mode<synchronous>, transform_indices = @transform_11, window_bounds = array<i64: 1, 384>}, {pipeline_mode = #tpu.pipeline_mode<synchronous>, transform_indices = @transform_12, window_bounds = array<i64: 1, 384>}, {transform_indices = @transform_13, window_bounds = array<i64: 64, 384>}]} {
    %eq3A = arith.constant 0 : i32
    %eq3A_0 = arith.cmpi eq, %arg0, %eq3A : i32
    %eq3A_1 = arith.constant 0 : i32
    %eq3A_2 = arith.cmpi eq, %arg1, %eq3A_1 : i32
    %and3A = arith.andi %eq3A_0, %eq3A_2 : i1
    %convert_element_type3A = arith.extui %and3A : i1 to i32
    %cond3A = arith.constant 0 : i32
    %cond3A_3 = arith.cmpi ne, %convert_element_type3A, %cond3A : i32
    scf.if %cond3A_3 {
      %broadcast_in_dim3A = arith.constant 0.000000e+00 : f32
      %broadcast_in_dim3A_30 = vector.broadcast %broadcast_in_dim3A : f32 to vector<1x64xf32>
      %swap3A = arith.constant 0 : index
      %swap3A_31 = arith.constant 0 : index
      %swap3A_32 = vector.load %arg16[%swap3A, %swap3A_31] : memref<1x64xf32, #tpu.memory_space<vmem>>, vector<1x64xf32>
      tpu.vector_store %arg16[%swap3A, %swap3A_31], %broadcast_in_dim3A_30 {strides = array<i32>} : memref<1x64xf32, #tpu.memory_space<vmem>>, vector<1x64xf32>,
      %broadcast_in_dim3A_33 = arith.constant 0.000000e+00 : f32
      %broadcast_in_dim3A_34 = vector.broadcast %broadcast_in_dim3A_33 : f32 to vector<1x64xf32>
      %swap3A_35 = arith.constant 0 : index
      %swap3A_36 = arith.constant 0 : index
      %swap3A_37 = vector.load %arg17[%swap3A_35, %swap3A_36] : memref<1x64xf32, #tpu.memory_space<vmem>>, vector<1x64xf32>
      tpu.vector_store %arg17[%swap3A_35, %swap3A_36], %broadcast_in_dim3A_34 {strides = array<i32>} : memref<1x64xf32, #tpu.memory_space<vmem>>, vector<1x64xf32>,
      %broadcast_in_dim3A_38 = arith.constant 0.000000e+00 : f32
      %broadcast_in_dim3A_39 = vector.broadcast %broadcast_in_dim3A_38 : f32 to vector<1x128xf32>
      %swap3A_40 = arith.constant 0 : index
      %swap3A_41 = arith.constant 0 : index
      %swap3A_42 = vector.load %arg18[%swap3A_40, %swap3A_41] : memref<1x128xf32, #tpu.memory_space<vmem>>, vector<1x128xf32>
      tpu.vector_store %arg18[%swap3A_40, %swap3A_41], %broadcast_in_dim3A_39 {strides = array<i32>} : memref<1x128xf32, #tpu.memory_space<vmem>>, vector<1x128xf32>,
      %broadcast_in_dim3A_43 = arith.constant 0.000000e+00 : f32
      %broadcast_in_dim3A_44 = vector.broadcast %broadcast_in_dim3A_43 : f32 to vector<1x128xf32>
      %swap3A_45 = arith.constant 0 : index
      %swap3A_46 = arith.constant 0 : index
      %swap3A_47 = vector.load %arg19[%swap3A_45, %swap3A_46] : memref<1x128xf32, #tpu.memory_space<vmem>>, vector<1x128xf32>
      tpu.vector_store %arg19[%swap3A_45, %swap3A_46], %broadcast_in_dim3A_44 {strides = array<i32>} : memref<1x128xf32, #tpu.memory_space<vmem>>, vector<1x128xf32>,
      %broadcast_in_dim3A_48 = arith.constant 0.000000e+00 : f32
      %broadcast_in_dim3A_49 = vector.broadcast %broadcast_in_dim3A_48 : f32 to vector<1x384xf32>
      %swap3A_50 = arith.constant 0 : index
      %swap3A_51 = arith.constant 0 : index
      %swap3A_52 = vector.load %arg20[%swap3A_50, %swap3A_51] : memref<1x384xf32, #tpu.memory_space<vmem>>, vector<1x384xf32>
      tpu.vector_store %arg20[%swap3A_50, %swap3A_51], %broadcast_in_dim3A_49 {strides = array<i32>} : memref<1x384xf32, #tpu.memory_space<vmem>>, vector<1x384xf32>,
      %broadcast_in_dim3A_53 = arith.constant 0.000000e+00 : f32
      %broadcast_in_dim3A_54 = vector.broadcast %broadcast_in_dim3A_53 : f32 to vector<1x384xf32>
      %swap3A_55 = arith.constant 0 : index
      %swap3A_56 = arith.constant 0 : index
      %swap3A_57 = vector.load %arg21[%swap3A_55, %swap3A_56] : memref<1x384xf32, #tpu.memory_space<vmem>>, vector<1x384xf32>
      tpu.vector_store %arg21[%swap3A_55, %swap3A_56], %broadcast_in_dim3A_54 {strides = array<i32>} : memref<1x384xf32, #tpu.memory_space<vmem>>, vector<1x384xf32>,
    } else {
    }
    %eq3A_4 = arith.constant 0 : i32
    %eq3A_5 = arith.cmpi eq, %arg0, %eq3A_4 : i32
    %convert_element_type3A_6 = arith.extui %eq3A_5 : i1 to i32
    %cond3A_7 = arith.constant 0 : i32
    %cond3A_8 = arith.cmpi ne, %convert_element_type3A_6, %cond3A_7 : i32
    scf.if %cond3A_8 {
      %get3A = arith.constant 0 : index
      %get3A_30 = arith.constant 0 : index
      %get3A_31 = vector.load %arg2[%get3A, %get3A_30] : memref<3x2048xf32, #tpu.memory_space<vmem>>, vector<3x2048xf32>
      %get3A_32 = arith.constant 0 : index
      %get3A_33 = arith.constant 0 : index
      %get3A_34 = vector.load %arg3[%get3A_32, %get3A_33] : memref<64x3xf32, #tpu.memory_space<vmem>>, vector<64x3xf32>
      %dot_general3A = arith.constant dense<0.000000e+00> : vector<2048x64xf32>
      %dot_general3A_35 = tpu.matmul %get3A_31, %get3A_34, %dot_general3A {dimension_numbers = #tpu.dot_dimension_numbers<[0], [1], [1], [0], [0, 1, 1, 0], [], []>, transpose_lhs_hint = false} : vector<3x2048xf32>, vector<64x3xf32>, vector<2048x64xf32> -> vector<2048x64xf32>
      %get3A_36 = arith.constant 0 : index
      %get3A_37 = arith.constant 0 : index
      %get3A_38 = vector.load %arg4[%get3A_36, %get3A_37] : memref<1x64xf32, #tpu.memory_space<vmem>>, vector<1x64xf32>
      %add3A = vector.broadcast %get3A_38 : vector<1x64xf32> to vector<2048x64xf32>
      %add3A_39 = arith.addf %dot_general3A_35, %add3A : vector<2048x64xf32>
      %get3A_40 = arith.constant 0 : index
      %get3A_41 = arith.constant 0 : index
      %get3A_42 = vector.load %arg16[%get3A_40, %get3A_41] : memref<1x64xf32, #tpu.memory_space<vmem>>, vector<1x64xf32>
      %reduce_sum3A = arith.constant dense<0.000000e+00> : vector<64xf32>
      %reduce_sum3A_43 = vector.multi_reduction <add>, %add3A_39, %reduce_sum3A [0] : vector<2048x64xf32> to vector<64xf32>
      %broadcast_in_dim3A = vector.shape_cast %reduce_sum3A_43 : vector<64xf32> to vector<1x64xf32>
      %add3A_44 = arith.addf %get3A_42, %broadcast_in_dim3A : vector<1x64xf32>
      %swap3A = arith.constant 0 : index
      %swap3A_45 = arith.constant 0 : index
      %swap3A_46 = vector.load %arg16[%swap3A, %swap3A_45] : memref<1x64xf32, #tpu.memory_space<vmem>>, vector<1x64xf32>
      tpu.vector_store %arg16[%swap3A, %swap3A_45], %add3A_44 {strides = array<i32>} : memref<1x64xf32, #tpu.memory_space<vmem>>, vector<1x64xf32>,
      %get3A_47 = arith.constant 0 : index
      %get3A_48 = arith.constant 0 : index
      %get3A_49 = vector.load %arg17[%get3A_47, %get3A_48] : memref<1x64xf32, #tpu.memory_space<vmem>>, vector<1x64xf32>
      %mul3A = arith.mulf %add3A_39, %add3A_39 : vector<2048x64xf32>
      %reduce_sum3A_50 = arith.constant dense<0.000000e+00> : vector<64xf32>
      %reduce_sum3A_51 = vector.multi_reduction <add>, %mul3A, %reduce_sum3A_50 [0] : vector<2048x64xf32> to vector<64xf32>
      %broadcast_in_dim3A_52 = vector.shape_cast %reduce_sum3A_51 : vector<64xf32> to vector<1x64xf32>
      %add3A_53 = arith.addf %get3A_49, %broadcast_in_dim3A_52 : vector<1x64xf32>
      %swap3A_54 = arith.constant 0 : index
      %swap3A_55 = arith.constant 0 : index
      %swap3A_56 = vector.load %arg17[%swap3A_54, %swap3A_55] : memref<1x64xf32, #tpu.memory_space<vmem>>, vector<1x64xf32>
      tpu.vector_store %arg17[%swap3A_54, %swap3A_55], %add3A_53 {strides = array<i32>} : memref<1x64xf32, #tpu.memory_space<vmem>>, vector<1x64xf32>,
    } else {
    }
    %eq3A_9 = arith.constant 1 : i32
    %eq3A_10 = arith.cmpi eq, %arg0, %eq3A_9 : i32
    %convert_element_type3A_11 = arith.extui %eq3A_10 : i1 to i32
    %cond3A_12 = arith.constant 1.310720e+05 : f32
    %cond3A_13 = arith.constant 9.99999974E-6 : f32
    %cond3A_14 = arith.constant 0 : i32
    %cond3A_15 = arith.cmpi ne, %convert_element_type3A_11, %cond3A_14 : i32
    scf.if %cond3A_15 {
      %get3A = arith.constant 0 : index
      %get3A_30 = arith.constant 0 : index
      %get3A_31 = vector.load %arg2[%get3A, %get3A_30] : memref<3x2048xf32, #tpu.memory_space<vmem>>, vector<3x2048xf32>
      %get3A_32 = arith.constant 0 : index
      %get3A_33 = arith.constant 0 : index
      %get3A_34 = vector.load %arg3[%get3A_32, %get3A_33] : memref<64x3xf32, #tpu.memory_space<vmem>>, vector<64x3xf32>
      %dot_general3A = arith.constant dense<0.000000e+00> : vector<2048x64xf32>
      %dot_general3A_35 = tpu.matmul %get3A_31, %get3A_34, %dot_general3A {dimension_numbers = #tpu.dot_dimension_numbers<[0], [1], [1], [0], [0, 1, 1, 0], [], []>, transpose_lhs_hint = false} : vector<3x2048xf32>, vector<64x3xf32>, vector<2048x64xf32> -> vector<2048x64xf32>
      %get3A_36 = arith.constant 0 : index
      %get3A_37 = arith.constant 0 : index
      %get3A_38 = vector.load %arg4[%get3A_36, %get3A_37] : memref<1x64xf32, #tpu.memory_space<vmem>>, vector<1x64xf32>
      %add3A = vector.broadcast %get3A_38 : vector<1x64xf32> to vector<2048x64xf32>
      %add3A_39 = arith.addf %dot_general3A_35, %add3A : vector<2048x64xf32>
      %get3A_40 = arith.constant 0 : index
      %get3A_41 = arith.constant 0 : index
      %get3A_42 = vector.load %arg16[%get3A_40, %get3A_41] : memref<1x64xf32, #tpu.memory_space<vmem>>, vector<1x64xf32>
      %div3A = vector.broadcast %cond3A_12 : f32 to vector<1x64xf32>
      %div3A_43 = arith.divf %get3A_42, %div3A : vector<1x64xf32>
      %get3A_44 = arith.constant 0 : index
      %get3A_45 = arith.constant 0 : index
      %get3A_46 = vector.load %arg17[%get3A_44, %get3A_45] : memref<1x64xf32, #tpu.memory_space<vmem>>, vector<1x64xf32>
      %div3A_47 = vector.broadcast %cond3A_12 : f32 to vector<1x64xf32>
      %div3A_48 = arith.divf %get3A_46, %div3A_47 : vector<1x64xf32>
      %mul3A = arith.mulf %div3A_43, %div3A_43 : vector<1x64xf32>
      %sub3A = arith.subf %div3A_48, %mul3A : vector<1x64xf32>
      %add3A_49 = vector.broadcast %cond3A_13 : f32 to vector<1x64xf32>
      %add3A_50 = arith.addf %sub3A, %add3A_49 : vector<1x64xf32>
      %rsqrt3A = math.rsqrt %add3A_50 : vector<1x64xf32>
      %get3A_51 = arith.constant 0 : index
      %get3A_52 = arith.constant 0 : index
      %get3A_53 = vector.load %arg5[%get3A_51, %get3A_52] : memref<1x64xf32, #tpu.memory_space<vmem>>, vector<1x64xf32>
      %sub3A_54 = vector.broadcast %div3A_43 : vector<1x64xf32> to vector<2048x64xf32>
      %sub3A_55 = arith.subf %add3A_39, %sub3A_54 : vector<2048x64xf32>
      %mul3A_56 = vector.broadcast %get3A_53 : vector<1x64xf32> to vector<2048x64xf32>
      %mul3A_57 = arith.mulf %mul3A_56, %sub3A_55 : vector<2048x64xf32>
      %mul3A_58 = vector.broadcast %rsqrt3A : vector<1x64xf32> to vector<2048x64xf32>
      %mul3A_59 = arith.mulf %mul3A_57, %mul3A_58 : vector<2048x64xf32>
      %get3A_60 = arith.constant 0 : index
      %get3A_61 = arith.constant 0 : index
      %get3A_62 = vector.load %arg6[%get3A_60, %get3A_61] : memref<1x64xf32, #tpu.memory_space<vmem>>, vector<1x64xf32>
      %add3A_63 = vector.broadcast %get3A_62 : vector<1x64xf32> to vector<2048x64xf32>
      %add3A_64 = arith.addf %mul3A_59, %add3A_63 : vector<2048x64xf32>
      %max3A = arith.constant 0.000000e+00 : f32
      %max3A_65 = vector.broadcast %max3A : f32 to vector<2048x64xf32>
      %max3A_66 = arith.maximumf %add3A_64, %max3A_65 : vector<2048x64xf32>
      %get3A_67 = arith.constant 0 : index
      %get3A_68 = arith.constant 0 : index
      %get3A_69 = vector.load %arg7[%get3A_67, %get3A_68] : memref<128x64xf32, #tpu.memory_space<vmem>>, vector<128x64xf32>
      %dot_general3A_70 = arith.constant dense<0.000000e+00> : vector<2048x128xf32>
      %dot_general3A_71 = tpu.matmul %max3A_66, %get3A_69, %dot_general3A_70 {dimension_numbers = #tpu.dot_dimension_numbers<[1], [1], [0], [0], [0, 0, 1, 0], [], []>, transpose_lhs_hint = false} : vector<2048x64xf32>, vector<128x64xf32>, vector<2048x128xf32> -> vector<2048x128xf32>
      %get3A_72 = arith.constant 0 : index
      %get3A_73 = arith.constant 0 : index
      %get3A_74 = vector.load %arg8[%get3A_72, %get3A_73] : memref<1x128xf32, #tpu.memory_space<vmem>>, vector<1x128xf32>
      %add3A_75 = vector.broadcast %get3A_74 : vector<1x128xf32> to vector<2048x128xf32>
      %add3A_76 = arith.addf %dot_general3A_71, %add3A_75 : vector<2048x128xf32>
      %get3A_77 = arith.constant 0 : index
      %get3A_78 = arith.constant 0 : index
      %get3A_79 = vector.load %arg18[%get3A_77, %get3A_78] : memref<1x128xf32, #tpu.memory_space<vmem>>, vector<1x128xf32>
      %reduce_sum3A = arith.constant dense<0.000000e+00> : vector<128xf32>
      %reduce_sum3A_80 = vector.multi_reduction <add>, %add3A_76, %reduce_sum3A [0] : vector<2048x128xf32> to vector<128xf32>
      %broadcast_in_dim3A = vector.shape_cast %reduce_sum3A_80 : vector<128xf32> to vector<1x128xf32>
      %add3A_81 = arith.addf %get3A_79, %broadcast_in_dim3A : vector<1x128xf32>
      %swap3A = arith.constant 0 : index
      %swap3A_82 = arith.constant 0 : index
      %swap3A_83 = vector.load %arg18[%swap3A, %swap3A_82] : memref<1x128xf32, #tpu.memory_space<vmem>>, vector<1x128xf32>
      tpu.vector_store %arg18[%swap3A, %swap3A_82], %add3A_81 {strides = array<i32>} : memref<1x128xf32, #tpu.memory_space<vmem>>, vector<1x128xf32>,
      %get3A_84 = arith.constant 0 : index
      %get3A_85 = arith.constant 0 : index
      %get3A_86 = vector.load %arg19[%get3A_84, %get3A_85] : memref<1x128xf32, #tpu.memory_space<vmem>>, vector<1x128xf32>
      %mul3A_87 = arith.mulf %add3A_76, %add3A_76 : vector<2048x128xf32>
      %reduce_sum3A_88 = arith.constant dense<0.000000e+00> : vector<128xf32>
      %reduce_sum3A_89 = vector.multi_reduction <add>, %mul3A_87, %reduce_sum3A_88 [0] : vector<2048x128xf32> to vector<128xf32>
      %broadcast_in_dim3A_90 = vector.shape_cast %reduce_sum3A_89 : vector<128xf32> to vector<1x128xf32>
      %add3A_91 = arith.addf %get3A_86, %broadcast_in_dim3A_90 : vector<1x128xf32>
      %swap3A_92 = arith.constant 0 : index
      %swap3A_93 = arith.constant 0 : index
      %swap3A_94 = vector.load %arg19[%swap3A_92, %swap3A_93] : memref<1x128xf32, #tpu.memory_space<vmem>>, vector<1x128xf32>
      tpu.vector_store %arg19[%swap3A_92, %swap3A_93], %add3A_91 {strides = array<i32>} : memref<1x128xf32, #tpu.memory_space<vmem>>, vector<1x128xf32>,
    } else {
    }
    %eq3A_16 = arith.constant 2 : i32
    %eq3A_17 = arith.cmpi eq, %arg0, %eq3A_16 : i32
    %convert_element_type3A_18 = arith.extui %eq3A_17 : i1 to i32
    %cond3A_19 = arith.constant 1.310720e+05 : f32
    %cond3A_20 = arith.constant 9.99999974E-6 : f32
    %cond3A_21 = arith.constant 0 : i32
    %cond3A_22 = arith.cmpi ne, %convert_element_type3A_18, %cond3A_21 : i32
    scf.if %cond3A_22 {
      %get3A = arith.constant 0 : index
      %get3A_30 = arith.constant 0 : index
      %get3A_31 = vector.load %arg2[%get3A, %get3A_30] : memref<3x2048xf32, #tpu.memory_space<vmem>>, vector<3x2048xf32>
      %get3A_32 = arith.constant 0 : index
      %get3A_33 = arith.constant 0 : index
      %get3A_34 = vector.load %arg3[%get3A_32, %get3A_33] : memref<64x3xf32, #tpu.memory_space<vmem>>, vector<64x3xf32>
      %dot_general3A = arith.constant dense<0.000000e+00> : vector<2048x64xf32>
      %dot_general3A_35 = tpu.matmul %get3A_31, %get3A_34, %dot_general3A {dimension_numbers = #tpu.dot_dimension_numbers<[0], [1], [1], [0], [0, 1, 1, 0], [], []>, transpose_lhs_hint = false} : vector<3x2048xf32>, vector<64x3xf32>, vector<2048x64xf32> -> vector<2048x64xf32>
      %get3A_36 = arith.constant 0 : index
      %get3A_37 = arith.constant 0 : index
      %get3A_38 = vector.load %arg4[%get3A_36, %get3A_37] : memref<1x64xf32, #tpu.memory_space<vmem>>, vector<1x64xf32>
      %add3A = vector.broadcast %get3A_38 : vector<1x64xf32> to vector<2048x64xf32>
      %add3A_39 = arith.addf %dot_general3A_35, %add3A : vector<2048x64xf32>
      %get3A_40 = arith.constant 0 : index
      %get3A_41 = arith.constant 0 : index
      %get3A_42 = vector.load %arg16[%get3A_40, %get3A_41] : memref<1x64xf32, #tpu.memory_space<vmem>>, vector<1x64xf32>
      %div3A = vector.broadcast %cond3A_19 : f32 to vector<1x64xf32>
      %div3A_43 = arith.divf %get3A_42, %div3A : vector<1x64xf32>
      %get3A_44 = arith.constant 0 : index
      %get3A_45 = arith.constant 0 : index
      %get3A_46 = vector.load %arg17[%get3A_44, %get3A_45] : memref<1x64xf32, #tpu.memory_space<vmem>>, vector<1x64xf32>
      %div3A_47 = vector.broadcast %cond3A_19 : f32 to vector<1x64xf32>
      %div3A_48 = arith.divf %get3A_46, %div3A_47 : vector<1x64xf32>
      %mul3A = arith.mulf %div3A_43, %div3A_43 : vector<1x64xf32>
      %sub3A = arith.subf %div3A_48, %mul3A : vector<1x64xf32>
      %add3A_49 = vector.broadcast %cond3A_20 : f32 to vector<1x64xf32>
      %add3A_50 = arith.addf %sub3A, %add3A_49 : vector<1x64xf32>
      %rsqrt3A = math.rsqrt %add3A_50 : vector<1x64xf32>
      %get3A_51 = arith.constant 0 : index
      %get3A_52 = arith.constant 0 : index
      %get3A_53 = vector.load %arg5[%get3A_51, %get3A_52] : memref<1x64xf32, #tpu.memory_space<vmem>>, vector<1x64xf32>
      %sub3A_54 = vector.broadcast %div3A_43 : vector<1x64xf32> to vector<2048x64xf32>
      %sub3A_55 = arith.subf %add3A_39, %sub3A_54 : vector<2048x64xf32>
      %mul3A_56 = vector.broadcast %get3A_53 : vector<1x64xf32> to vector<2048x64xf32>
      %mul3A_57 = arith.mulf %mul3A_56, %sub3A_55 : vector<2048x64xf32>
      %mul3A_58 = vector.broadcast %rsqrt3A : vector<1x64xf32> to vector<2048x64xf32>
      %mul3A_59 = arith.mulf %mul3A_57, %mul3A_58 : vector<2048x64xf32>
      %get3A_60 = arith.constant 0 : index
      %get3A_61 = arith.constant 0 : index
      %get3A_62 = vector.load %arg6[%get3A_60, %get3A_61] : memref<1x64xf32, #tpu.memory_space<vmem>>, vector<1x64xf32>
      %add3A_63 = vector.broadcast %get3A_62 : vector<1x64xf32> to vector<2048x64xf32>
      %add3A_64 = arith.addf %mul3A_59, %add3A_63 : vector<2048x64xf32>
      %max3A = arith.constant 0.000000e+00 : f32
      %max3A_65 = vector.broadcast %max3A : f32 to vector<2048x64xf32>
      %max3A_66 = arith.maximumf %add3A_64, %max3A_65 : vector<2048x64xf32>
      %get3A_67 = arith.constant 0 : index
      %get3A_68 = arith.constant 0 : index
      %get3A_69 = vector.load %arg7[%get3A_67, %get3A_68] : memref<128x64xf32, #tpu.memory_space<vmem>>, vector<128x64xf32>
      %dot_general3A_70 = arith.constant dense<0.000000e+00> : vector<2048x128xf32>
      %dot_general3A_71 = tpu.matmul %max3A_66, %get3A_69, %dot_general3A_70 {dimension_numbers = #tpu.dot_dimension_numbers<[1], [1], [0], [0], [0, 0, 1, 0], [], []>, transpose_lhs_hint = false} : vector<2048x64xf32>, vector<128x64xf32>, vector<2048x128xf32> -> vector<2048x128xf32>
      %get3A_72 = arith.constant 0 : index
      %get3A_73 = arith.constant 0 : index
      %get3A_74 = vector.load %arg8[%get3A_72, %get3A_73] : memref<1x128xf32, #tpu.memory_space<vmem>>, vector<1x128xf32>
      %add3A_75 = vector.broadcast %get3A_74 : vector<1x128xf32> to vector<2048x128xf32>
      %add3A_76 = arith.addf %dot_general3A_71, %add3A_75 : vector<2048x128xf32>
      %get3A_77 = arith.constant 0 : index
      %get3A_78 = arith.constant 0 : index
      %get3A_79 = vector.load %arg18[%get3A_77, %get3A_78] : memref<1x128xf32, #tpu.memory_space<vmem>>, vector<1x128xf32>
      %div3A_80 = vector.broadcast %cond3A_19 : f32 to vector<1x128xf32>
      %div3A_81 = arith.divf %get3A_79, %div3A_80 : vector<1x128xf32>
      %get3A_82 = arith.constant 0 : index
      %get3A_83 = arith.constant 0 : index
      %get3A_84 = vector.load %arg19[%get3A_82, %get3A_83] : memref<1x128xf32, #tpu.memory_space<vmem>>, vector<1x128xf32>
      %div3A_85 = vector.broadcast %cond3A_19 : f32 to vector<1x128xf32>
      %div3A_86 = arith.divf %get3A_84, %div3A_85 : vector<1x128xf32>
      %mul3A_87 = arith.mulf %div3A_81, %div3A_81 : vector<1x128xf32>
      %sub3A_88 = arith.subf %div3A_86, %mul3A_87 : vector<1x128xf32>
      %add3A_89 = vector.broadcast %cond3A_20 : f32 to vector<1x128xf32>
      %add3A_90 = arith.addf %sub3A_88, %add3A_89 : vector<1x128xf32>
      %rsqrt3A_91 = math.rsqrt %add3A_90 : vector<1x128xf32>
      %get3A_92 = arith.constant 0 : index
      %get3A_93 = arith.constant 0 : index
      %get3A_94 = vector.load %arg9[%get3A_92, %get3A_93] : memref<1x128xf32, #tpu.memory_space<vmem>>, vector<1x128xf32>
      %sub3A_95 = vector.broadcast %div3A_81 : vector<1x128xf32> to vector<2048x128xf32>
      %sub3A_96 = arith.subf %add3A_76, %sub3A_95 : vector<2048x128xf32>
      %mul3A_97 = vector.broadcast %get3A_94 : vector<1x128xf32> to vector<2048x128xf32>
      %mul3A_98 = arith.mulf %mul3A_97, %sub3A_96 : vector<2048x128xf32>
      %mul3A_99 = vector.broadcast %rsqrt3A_91 : vector<1x128xf32> to vector<2048x128xf32>
      %mul3A_100 = arith.mulf %mul3A_98, %mul3A_99 : vector<2048x128xf32>
      %get3A_101 = arith.constant 0 : index
      %get3A_102 = arith.constant 0 : index
      %get3A_103 = vector.load %arg10[%get3A_101, %get3A_102] : memref<1x128xf32, #tpu.memory_space<vmem>>, vector<1x128xf32>
      %add3A_104 = vector.broadcast %get3A_103 : vector<1x128xf32> to vector<2048x128xf32>
      %add3A_105 = arith.addf %mul3A_100, %add3A_104 : vector<2048x128xf32>
      %max3A_106 = arith.constant 0.000000e+00 : f32
      %max3A_107 = vector.broadcast %max3A_106 : f32 to vector<2048x128xf32>
      %max3A_108 = arith.maximumf %add3A_105, %max3A_107 : vector<2048x128xf32>
      %get3A_109 = arith.constant 0 : index
      %get3A_110 = arith.constant 0 : index
      %get3A_111 = vector.load %arg11[%get3A_109, %get3A_110] : memref<384x128xf32, #tpu.memory_space<vmem>>, vector<384x128xf32>
      %dot_general3A_112 = arith.constant dense<0.000000e+00> : vector<2048x384xf32>
      %dot_general3A_113 = tpu.matmul %max3A_108, %get3A_111, %dot_general3A_112 {dimension_numbers = #tpu.dot_dimension_numbers<[1], [1], [0], [0], [0, 0, 1, 0], [], []>, transpose_lhs_hint = false} : vector<2048x128xf32>, vector<384x128xf32>, vector<2048x384xf32> -> vector<2048x384xf32>
      %get3A_114 = arith.constant 0 : index
      %get3A_115 = arith.constant 0 : index
      %get3A_116 = vector.load %arg12[%get3A_114, %get3A_115] : memref<1x384xf32, #tpu.memory_space<vmem>>, vector<1x384xf32>
      %add3A_117 = vector.broadcast %get3A_116 : vector<1x384xf32> to vector<2048x384xf32>
      %add3A_118 = arith.addf %dot_general3A_113, %add3A_117 : vector<2048x384xf32>
      %get3A_119 = arith.constant 0 : index
      %get3A_120 = arith.constant 0 : index
      %get3A_121 = vector.load %arg20[%get3A_119, %get3A_120] : memref<1x384xf32, #tpu.memory_space<vmem>>, vector<1x384xf32>
      %reduce_sum3A = arith.constant dense<0.000000e+00> : vector<384xf32>
      %reduce_sum3A_122 = vector.multi_reduction <add>, %add3A_118, %reduce_sum3A [0] : vector<2048x384xf32> to vector<384xf32>
      %broadcast_in_dim3A = vector.shape_cast %reduce_sum3A_122 : vector<384xf32> to vector<1x384xf32>
      %add3A_123 = arith.addf %get3A_121, %broadcast_in_dim3A : vector<1x384xf32>
      %swap3A = arith.constant 0 : index
      %swap3A_124 = arith.constant 0 : index
      %swap3A_125 = vector.load %arg20[%swap3A, %swap3A_124] : memref<1x384xf32, #tpu.memory_space<vmem>>, vector<1x384xf32>
      tpu.vector_store %arg20[%swap3A, %swap3A_124], %add3A_123 {strides = array<i32>} : memref<1x384xf32, #tpu.memory_space<vmem>>, vector<1x384xf32>,
      %get3A_126 = arith.constant 0 : index
      %get3A_127 = arith.constant 0 : index
      %get3A_128 = vector.load %arg21[%get3A_126, %get3A_127] : memref<1x384xf32, #tpu.memory_space<vmem>>, vector<1x384xf32>
      %mul3A_129 = arith.mulf %add3A_118, %add3A_118 : vector<2048x384xf32>
      %reduce_sum3A_130 = arith.constant dense<0.000000e+00> : vector<384xf32>
      %reduce_sum3A_131 = vector.multi_reduction <add>, %mul3A_129, %reduce_sum3A_130 [0] : vector<2048x384xf32> to vector<384xf32>
      %broadcast_in_dim3A_132 = vector.shape_cast %reduce_sum3A_131 : vector<384xf32> to vector<1x384xf32>
      %add3A_133 = arith.addf %get3A_128, %broadcast_in_dim3A_132 : vector<1x384xf32>
      %swap3A_134 = arith.constant 0 : index
      %swap3A_135 = arith.constant 0 : index
      %swap3A_136 = vector.load %arg21[%swap3A_134, %swap3A_135] : memref<1x384xf32, #tpu.memory_space<vmem>>, vector<1x384xf32>
      tpu.vector_store %arg21[%swap3A_134, %swap3A_135], %add3A_133 {strides = array<i32>} : memref<1x384xf32, #tpu.memory_space<vmem>>, vector<1x384xf32>,
      %reshape3A = vector.shape_cast %add3A_118 : vector<2048x384xf32> to vector<64x32x384xf32>
      %mul3A_137 = arith.constant 64 : i32
      %mul3A_138 = arith.muli %arg1, %mul3A_137 : i32
      %multiple_of3A = tpu.assume_multiple %mul3A_138, 64 : i32
      %reduce_max3A = arith.constant dense<0xFF800000> : vector<64x384xf32>
      %reduce_max3A_139 = vector.multi_reduction <maximumf>, %reshape3A, %reduce_max3A [1] : vector<64x32x384xf32> to vector<64x384xf32>
      %swap3A_140 = arith.index_cast %multiple_of3A : i32 to index
      %swap3A_141 = arith.constant 0 : index
      %swap3A_142 = vector.load %arg22[%swap3A_140, %swap3A_141] : memref<4096x384xf32, #tpu.memory_space<vmem>>, vector<64x384xf32>
      tpu.vector_store %arg22[%swap3A_140, %swap3A_141], %reduce_max3A_139 {strides = array<i32>} : memref<4096x384xf32, #tpu.memory_space<vmem>>, vector<64x384xf32>,
      %reduce_min3A = arith.constant dense<0x7F800000> : vector<64x384xf32>
      %reduce_min3A_143 = vector.multi_reduction <minimumf>, %reshape3A, %reduce_min3A [1] : vector<64x32x384xf32> to vector<64x384xf32>
      %swap3A_144 = arith.index_cast %multiple_of3A : i32 to index
      %swap3A_145 = arith.constant 0 : index
      %swap3A_146 = vector.load %arg23[%swap3A_144, %swap3A_145] : memref<4096x384xf32, #tpu.memory_space<vmem>>, vector<64x384xf32>
      tpu.vector_store %arg23[%swap3A_144, %swap3A_145], %reduce_min3A_143 {strides = array<i32>} : memref<4096x384xf32, #tpu.memory_space<vmem>>, vector<64x384xf32>,
    } else {
    }
    %eq3A_23 = arith.constant 3 : i32
    %eq3A_24 = arith.cmpi eq, %arg0, %eq3A_23 : i32
    %convert_element_type3A_25 = arith.extui %eq3A_24 : i1 to i32
    %cond3A_26 = arith.constant 1.310720e+05 : f32
    %cond3A_27 = arith.constant 9.99999974E-6 : f32
    %cond3A_28 = arith.constant 0 : i32
    %cond3A_29 = arith.cmpi ne, %convert_element_type3A_25, %cond3A_28 : i32
    scf.if %cond3A_29 {
      %get3A = arith.constant 0 : index
      %get3A_30 = arith.constant 0 : index
      %get3A_31 = vector.load %arg20[%get3A, %get3A_30] : memref<1x384xf32, #tpu.memory_space<vmem>>, vector<1x384xf32>
      %div3A = vector.broadcast %cond3A_26 : f32 to vector<1x384xf32>
      %div3A_32 = arith.divf %get3A_31, %div3A : vector<1x384xf32>
      %get3A_33 = arith.constant 0 : index
      %get3A_34 = arith.constant 0 : index
      %get3A_35 = vector.load %arg21[%get3A_33, %get3A_34] : memref<1x384xf32, #tpu.memory_space<vmem>>, vector<1x384xf32>
      %div3A_36 = vector.broadcast %cond3A_26 : f32 to vector<1x384xf32>
      %div3A_37 = arith.divf %get3A_35, %div3A_36 : vector<1x384xf32>
      %mul3A = arith.mulf %div3A_32, %div3A_32 : vector<1x384xf32>
      %sub3A = arith.subf %div3A_37, %mul3A : vector<1x384xf32>
      %add3A = vector.broadcast %cond3A_27 : f32 to vector<1x384xf32>
      %add3A_38 = arith.addf %sub3A, %add3A : vector<1x384xf32>
      %rsqrt3A = math.rsqrt %add3A_38 : vector<1x384xf32>
      %mul3A_39 = arith.constant 64 : i32
      %mul3A_40 = arith.muli %arg1, %mul3A_39 : i32
      %multiple_of3A = tpu.assume_multiple %mul3A_40, 64 : i32
      %get3A_41 = arith.index_cast %multiple_of3A : i32 to index
      %get3A_42 = arith.constant 0 : index
      %get3A_43 = vector.load %arg22[%get3A_41, %get3A_42] : memref<4096x384xf32, #tpu.memory_space<vmem>>, vector<64x384xf32>
      %get3A_44 = arith.index_cast %multiple_of3A : i32 to index
      %get3A_45 = arith.constant 0 : index
      %get3A_46 = vector.load %arg23[%get3A_44, %get3A_45] : memref<4096x384xf32, #tpu.memory_space<vmem>>, vector<64x384xf32>
      %get3A_47 = arith.constant 0 : index
      %get3A_48 = arith.constant 0 : index
      %get3A_49 = vector.load %arg13[%get3A_47, %get3A_48] : memref<1x384xf32, #tpu.memory_space<vmem>>, vector<1x384xf32>
      %sub3A_50 = vector.broadcast %div3A_32 : vector<1x384xf32> to vector<64x384xf32>
      %sub3A_51 = arith.subf %get3A_43, %sub3A_50 : vector<64x384xf32>
      %mul3A_52 = vector.broadcast %get3A_49 : vector<1x384xf32> to vector<64x384xf32>
      %mul3A_53 = arith.mulf %mul3A_52, %sub3A_51 : vector<64x384xf32>
      %mul3A_54 = vector.broadcast %rsqrt3A : vector<1x384xf32> to vector<64x384xf32>
      %mul3A_55 = arith.mulf %mul3A_53, %mul3A_54 : vector<64x384xf32>
      %sub3A_56 = vector.broadcast %div3A_32 : vector<1x384xf32> to vector<64x384xf32>
      %sub3A_57 = arith.subf %get3A_46, %sub3A_56 : vector<64x384xf32>
      %mul3A_58 = vector.broadcast %get3A_49 : vector<1x384xf32> to vector<64x384xf32>
      %mul3A_59 = arith.mulf %mul3A_58, %sub3A_57 : vector<64x384xf32>
      %mul3A_60 = vector.broadcast %rsqrt3A : vector<1x384xf32> to vector<64x384xf32>
      %mul3A_61 = arith.mulf %mul3A_59, %mul3A_60 : vector<64x384xf32>
      %gt3A = arith.constant 0.000000e+00 : f32
      %gt3A_62 = vector.broadcast %gt3A : f32 to vector<1x384xf32>
      %gt3A_63 = arith.cmpf ogt, %get3A_49, %gt3A_62 : vector<1x384xf32>
      %broadcast_in_dim3A = vector.shape_cast %gt3A_63 : vector<1x384xi1> to vector<1x384xi1>
      %broadcast_in_dim3A_64 = vector.broadcast %broadcast_in_dim3A : vector<1x384xi1> to vector<64x384xi1>
      %select_n3A = arith.select %broadcast_in_dim3A_64, %mul3A_55, %mul3A_61 : vector<64x384xi1>, vector<64x384xf32>
      %get3A_65 = arith.constant 0 : index
      %get3A_66 = arith.constant 0 : index
      %get3A_67 = vector.load %arg14[%get3A_65, %get3A_66] : memref<1x384xf32, #tpu.memory_space<vmem>>, vector<1x384xf32>
      %add3A_68 = vector.broadcast %get3A_67 : vector<1x384xf32> to vector<64x384xf32>
      %add3A_69 = arith.addf %select_n3A, %add3A_68 : vector<64x384xf32>
      %swap3A = arith.constant 0 : index
      %swap3A_70 = arith.constant 0 : index
      %swap3A_71 = vector.load %arg15[%swap3A, %swap3A_70] : memref<64x384xf32, #tpu.memory_space<vmem>>, vector<64x384xf32>
      tpu.vector_store %arg15[%swap3A, %swap3A_70], %add3A_69 {strides = array<i32>} : memref<64x384xf32, #tpu.memory_space<vmem>>, vector<64x384xf32>,
    } else {
    }
    return
  }
  func.func @transform_0(%arg0: i32, %arg1: i32) -> (i32, i32) {
    %c0_i32 = arith.constant 0 : i32
    %c0_i32_0 = arith.constant 0 : i32
    return %c0_i32, %arg1 : i32, i32
  }
  func.func @transform_1(%arg0: i32, %arg1: i32) -> (i32, i32) {
    %c0_i32 = arith.constant 0 : i32
    %c0_i32_0 = arith.constant 0 : i32
    %c0_i32_1 = arith.constant 0 : i32
    return %c0_i32, %c0_i32_0 : i32, i32
  }
  func.func @transform_2(%arg0: i32, %arg1: i32) -> (i32, i32) {
    %c0_i32 = arith.constant 0 : i32
    %c0_i32_0 = arith.constant 0 : i32
    %c0_i32_1 = arith.constant 0 : i32
    return %c0_i32, %c0_i32_0 : i32, i32
  }
  func.func @transform_3(%arg0: i32, %arg1: i32) -> (i32, i32) {
    %c0_i32 = arith.constant 0 : i32
    %c0_i32_0 = arith.constant 0 : i32
    %c0_i32_1 = arith.constant 0 : i32
    return %c0_i32, %c0_i32_0 : i32, i32
  }
  func.func @transform_4(%arg0: i32, %arg1: i32) -> (i32, i32) {
    %c0_i32 = arith.constant 0 : i32
    %c0_i32_0 = arith.constant 0 : i32
    %c0_i32_1 = arith.constant 0 : i32
    return %c0_i32, %c0_i32_0 : i32, i32
  }
  func.func @transform_5(%arg0: i32, %arg1: i32) -> (i32, i32) {
    %c0_i32 = arith.constant 0 : i32
    %c0_i32_0 = arith.constant 0 : i32
    %c0_i32_1 = arith.constant 0 : i32
    return %c0_i32, %c0_i32_0 : i32, i32
  }
  func.func @transform_6(%arg0: i32, %arg1: i32) -> (i32, i32) {
    %c0_i32 = arith.constant 0 : i32
    %c0_i32_0 = arith.constant 0 : i32
    %c0_i32_1 = arith.constant 0 : i32
    return %c0_i32, %c0_i32_0 : i32, i32
  }
  func.func @transform_7(%arg0: i32, %arg1: i32) -> (i32, i32) {
    %c0_i32 = arith.constant 0 : i32
    %c0_i32_0 = arith.constant 0 : i32
    %c0_i32_1 = arith.constant 0 : i32
    return %c0_i32, %c0_i32_0 : i32, i32
  }
  func.func @transform_8(%arg0: i32, %arg1: i32) -> (i32, i32) {
    %c0_i32 = arith.constant 0 : i32
    %c0_i32_0 = arith.constant 0 : i32
    %c0_i32_1 = arith.constant 0 : i32
    return %c0_i32, %c0_i32_0 : i32, i32
  }
  func.func @transform_9(%arg0: i32, %arg1: i32) -> (i32, i32) {
    %c0_i32 = arith.constant 0 : i32
    %c0_i32_0 = arith.constant 0 : i32
    %c0_i32_1 = arith.constant 0 : i32
    return %c0_i32, %c0_i32_0 : i32, i32
  }
  func.func @transform_10(%arg0: i32, %arg1: i32) -> (i32, i32) {
    %c0_i32 = arith.constant 0 : i32
    %c0_i32_0 = arith.constant 0 : i32
    %c0_i32_1 = arith.constant 0 : i32
    return %c0_i32, %c0_i32_0 : i32, i32
  }
  func.func @transform_11(%arg0: i32, %arg1: i32) -> (i32, i32) {
    %c0_i32 = arith.constant 0 : i32
    %c0_i32_0 = arith.constant 0 : i32
    %c0_i32_1 = arith.constant 0 : i32
    return %c0_i32, %c0_i32_0 : i32, i32
  }
  func.func @transform_12(%arg0: i32, %arg1: i32) -> (i32, i32) {
    %c0_i32 = arith.constant 0 : i32
    %c0_i32_0 = arith.constant 0 : i32
    %c0_i32_1 = arith.constant 0 : i32
    return %c0_i32, %c0_i32_0 : i32, i32
  }
  func.func @transform_13(%arg0: i32, %arg1: i32) -> (i32, i32) {
    %c0_i32 = arith.constant 0 : i32
    %c0_i32_0 = arith.constant 0 : i32
    return %arg1, %c0_i32 : i32, i32
  }
}

</mosaic_0001>

<sc_bundles>
// kernel: kernel.6.cloned.1.call-start
scs
__scs_entry_jumppad:
0x0: {  	(pc) =	sbr.rel $0x88, $3  }
0x1: {  	(tag) =	ssettag $0x0;
	lr =	simm.s32 $0x1  }
0x2: {  	[smem:$0x3F94] =	sst lr;
	_ =	strace $0xD0000000  }
0x3: {  	_ = 	snop  }
0x4: {  	_ = 	snop  }
0x5: {  	_ = 	snop  }
0x6: {  	_ = 	snop  }
0x7: {  	_ = 	snop  }
__scs_overlays_trampoline_lowered:
0x8: {  	[smem:$0x3FA3] =	sst s0  }
0x9: {  	[smem:$0x3FA4] =	sst s1  }
0xa: {  	[smem:$0x3FA5] =	sst s2  }
0xb: {  	[smem:$0x3FA6] =	sst s3  }
0xc: {  	[smem:$0x3FA7] =	sst s4  }
0xd: {  	[smem:$0x3FA8] =	sst s5  }
0xe: {  	[smem:$0x3FA9] =	sst s6  }
0xf: {  	[smem:$0x3FAA] =	sst s7  }
0x10: {  	[smem:$0x3FAB] =	sst s8  }
0x11: {  	[smem:$0x3FAC] =	sst s9;
	s0 =	simm.s32 @!p0 $0x0  }
0x12: {  	s1 =	sld [smem:$0x3F92];
	s0 =	simm.s32 @p0 $0x1  }
0x13: {  	[smem:$0x3FAD] =	sst s0;
	s0 =	simm.s32 @!p1 $0x0  }
0x14: {  	s2 =	sld [smem:$0x3F91];
	s0 =	simm.s32 @p1 $0x1  }
0x15: {  	[smem:$0x3FAE] =	sst s0;
	s0 =	simm.s32 @!p2 $0x0  }
0x16: {  	s3 =	sld [smem:$0x3FDB];
	s0 =	simm.s32 @p2 $0x1  }
0x17: {  	s4 =	simm.s32 $0x1BF5;
	[smem:$0x3FB0] =	sst s0  }
0x18: {  	s0 =	sld [smem:$0x3F93];
	_ =	swait.ge [sflag:s4], $0x0  }
0x19: {  	s7 =	sld [smem:$0x3F94]  }
0x1a: {  	s8 =	sadd.s32 $0xFFFFE003, lr  }
0x1b: {  	s9 =	sadd.s32 $0xFFFFFEF7, lr;
	s5 =	simm.s32 $0xFFFFFFFF;
	p2 =	slt.u32 s8, $0xFFFFF086  }
0x1c: {  	p1 =	slt.u32 s9, $0xF7A;
	s5 =	simm.s32 @!p2 $0x0  }
0x1d: {  	s5 =	simm.s32 @p1 $0x1;
	p0 =	seq.s32 s7, s2  }
0x1e: {  	s7 =	smul.u32 @!p0 $0xF7A, s2;
	p2 =	seq.s32 @!p0 s5, $0x0  }
0x1f: {  	s9 =	smul.u32 $0xF7A, s1;
	s8 =	simm.s32 @!p0 $0x1BF5;
	p2 =	por !p2, p0  }
0x20: {  	[sflag:s8] =	ssyncset.s32 @!p0 $0xFFFFF086;
	s6 =	sadd.s32 @!p0 s3, s7;
	s7 =	simm.s32 @!p0 $0x108  }
0x21: {  	s3 =	sadd.s32 s3, s9;
	s6 =	sadd.s32 @!p0 $0x88, s6;
	s7 =	simm.s32 @p2 $0x1082  }
0x22: {  	[simem:s7], [sflag:s8] =	dma.local @!p0 [hbm:s6], $0xF7A  }
0x23: {  	s9 =	sor.u32 $0xD0000000, s2;
	s6 =	simm.s32 $0x108;
	_ =	swait.ge @!p0 [sflag:s8], $0x0  }
0x24: {  	s3 =	sadd.s32 $0x88, s3;
	s6 =	simm.s32 @!p1 $0x1082;
	[sflag:s4] =	ssyncset.s32 $0xFFFFF086  }
0x25: {  	[simem:s6], [sflag:s4] =	dma.local [hbm:s3], $0xF7A  }
0x26: {  	[smem:$0x3F94] =	sst s1;
	(tag) =	ssettag s2;
	_ =	strace s9  }
0x27: {  	s1 =	sld [smem:$0x3FA4]  }
0x28: {  	s2 =	sld [smem:$0x3FA5]  }
0x29: {  	s4 =	sld [smem:$0x3FA7]  }
0x2a: {  	p0 =	seq.s32 s5, $0x0;
	s5 =	sld [smem:$0x3FA8]  }
0x2b: {  	s6 =	sld [smem:$0x3FA9]  }
0x2c: {  	s7 =	sld [smem:$0x3FAA]  }
0x2d: {  	s3 =	simm.s32 $0x108;
	s8 =	sld [smem:$0x3FAB]  }
0x2e: {  	s3 =	simm.s32 @!p0 $0x1082;
	s9 =	sld [smem:$0x3FAC]  }
0x2f: {  	lr =	sadd.s32 s0, s3;
	s0 =	sld [smem:$0x3FA3]  }
0x30: {  	s3 =	sld [smem:$0x3FA6]  }
0x31: {  	[smem:$0x3FAF] =	sst s10  }
0x32: {  	s10 =	sld [smem:$0x3FAD];
	_ =	sdelay $0x3  }
0x33: {  	p0 =	seq.s32 s10, $0x1;
	s10 =	sld [smem:$0x3FAF];
	_ =	sdelay $0x3  }
0x34: {  	[smem:$0x3FAF] =	sst s10  }
0x35: {  	s10 =	sld [smem:$0x3FAE];
	_ =	sdelay $0x3  }
0x36: {  	p1 =	seq.s32 s10, $0x1;
	s10 =	sld [smem:$0x3FAF];
	_ =	sdelay $0x3  }
0x37: {  	[smem:$0x3FAF] =	sst s10  }
0x38: {  	s10 =	sld [smem:$0x3FB0]  }
0x39: {  	_ = 	snop;
	(pc) =	sbr.ind lr, $3  }
0x3a: {  	_ = 	snop  }
0x3b: {  	_ = 	snop  }
0x3c: {  	p2 =	seq.s32 s10, $0x1;
	s10 =	sld [smem:$0x3FAF]  }
0x3d: {  	_ =	shalt  }
0x3e: {  	_ =	shalt  }
0x3f: {  	_ =	shalt  }
0x40: {  	_ =	shalt  }
0x41: {  	_ =	shalt  }
0x42: {  	_ =	shalt  }
0x43: {  	_ =	shalt  }
0x44: {  	_ =	shalt  }
0x45: {  	_ =	shalt  }
0x46: {  	_ =	shalt  }
0x47: {  	_ =	shalt  }
0x48: {  	_ =	shalt  }
0x49: {  	_ =	shalt  }
0x4a: {  	_ =	shalt  }
0x4b: {  	_ =	shalt  }
0x4c: {  	_ =	shalt  }
0x4d: {  	_ =	shalt  }
0x4e: {  	_ =	shalt  }
0x4f: {  	_ =	shalt  }
0x50: {  	_ =	shalt  }
0x51: {  	_ =	shalt  }
0x52: {  	_ =	shalt  }
0x53: {  	_ =	shalt  }
0x54: {  	_ =	shalt  }
0x55: {  	_ =	shalt  }
0x56: {  	_ =	shalt  }
0x57: {  	_ =	shalt  }
0x58: {  	_ =	shalt  }
0x59: {  	_ =	shalt  }
0x5a: {  	_ =	shalt  }
0x5b: {  	_ =	shalt  }
0x5c: {  	_ =	shalt  }
0x5d: {  	_ =	shalt  }
0x5e: {  	_ =	shalt  }
0x5f: {  	_ =	shalt  }
0x60: {  	_ =	shalt  }
0x61: {  	_ =	shalt  }
0x62: {  	_ =	shalt  }
0x63: {  	_ =	shalt  }
0x64: {  	_ =	shalt  }
0x65: {  	_ =	shalt  }
0x66: {  	_ =	shalt  }
0x67: {  	_ =	shalt  }
0x68: {  	_ =	shalt  }
0x69: {  	_ =	shalt  }
0x6a: {  	_ =	shalt  }
0x6b: {  	_ =	shalt  }
0x6c: {  	_ =	shalt  }
0x6d: {  	_ =	shalt  }
0x6e: {  	_ =	shalt  }
0x6f: {  	_ =	shalt  }
0x70: {  	_ =	shalt  }
0x71: {  	_ =	shalt  }
0x72: {  	_ =	shalt  }
0x73: {  	_ =	shalt  }
0x74: {  	_ =	shalt  }
0x75: {  	_ =	shalt  }
0x76: {  	_ =	shalt  }
0x77: {  	_ =	shalt  }
0x78: {  	_ =	shalt  }
0x79: {  	_ =	shalt  }
0x7a: {  	_ =	shalt  }
0x7b: {  	_ =	shalt  }
0x7c: {  	_ =	shalt  }
0x7d: {  	_ =	shalt  }
0x7e: {  	_ =	shalt  }
0x7f: {  	_ =	shalt  }
0x80: {  	_ =	shalt  }
0x81: {  	_ =	shalt  }
0x82: {  	_ =	shalt  }
0x83: {  	_ =	shalt  }
0x84: {  	_ =	shalt  }
0x85: {  	_ =	shalt  }
0x86: {  	_ =	shalt  }
0x87: {  	_ =	shalt  }
.Lfunc_end0:
.L_simem_size_0:
called_computation_lowered:
.L_overlay_start_0:
0x88: {  	s2 =	sld [smem:$0x3FD9]  }
0x89: {  	s3 =	sld [smem:$0x3FFE];
	_ =	sdelay $0x1  }
0x8a: {  	s1 =	srdreg.scid  }
0x8b: {  	s0 =	sand.u32 $0x1, s1  }
0x8c: {  	s14 =	sshll.u32 s0, $0xA;
	s2 =	sadd.s32 s3, s2  }
0x8d: {  	s2 =	sadd.s32 s2, s14  }
0x8e: {  	[smem:$0x3FBB] =	sst s2  }
0x8f: {  	_ = 	snop  }
0x90: {  	s2 =	sld [smem:$0x3FD0];
	_ =	sdelay $0x2  }
0x91: {  	s15 =	simm.s32 $0xA;
	s4 =	simm.s32 $0x10  }
0x92: {  	[smem:s4], [sflag:s15] =	dma.local [hbm:s2], $0x1  }
0x93: {  	_ =	swait.eq [sflag:s15], $0x1  }
0x94: {  	[sflag:s15] =	ssyncset.done $0x0  }
0x95: {  	[sflag:s15] =	ssyncadd.s32 $0xFFFFFFFF  }
0x96: {  	s16 =	sld [smem:$0x10];
	(tm) =	ssettm $0x1  }
0x97: {  	s17 =	sld [smem:$0x3FFB];
	_ =	sdelay $0x3  }
0x98: {  	_ =	strace s17  }
0x99: {  	s3 =	sld [smem:$0x3FFC];
	_ =	sdelay $0x3  }
0x9a: {  	_ =	strace s3  }
0x9b: {  	s3 =	sld [smem:$0x3FFD];
	_ =	sdelay $0x3  }
0x9c: {  	_ =	strace s3  }
0x9d: {  	_ =	strace $0x8FFFFFFF  }
0x9e: {  	s18 =	sld [smem:$0x3FDB];
	_ =	sdelay $0x1  }
0x9f: {  	s19 =	simm.s32 $_scs_section_size  }
0xa0: {  	s5 =	simm.s32 $_size__tile_overlayer_lowered;
	s6 =	simm.s32 $_tile_overlayer_lowered  }
0xa1: {  	s22 =	simm.s32 $0x1BFF;
	s21 =	sshll.u32 s6, $0x1;
	s3 =	sadd.s32 s19, s18  }
0xa2: {  	s7 =	simm.s32 $0x0;
	s20 =	sshll.u32 s5, $0x1;
	s5 =	sadd.s32 s21, s3  }
0xa3: {  	[timem:s7], [sflag:s22] =	dma.local [hbm:s5], s20  }
0xa4: {  	_ =	swait.ge [sflag:s22], s20  }
0xa5: {  	s4 =	ssub.s32 $0x0, s20;
	[sflag:s22] =	ssyncset.done $0x0  }
0xa6: {  	[sflag:s22] =	ssyncadd.s32 s4;
	_ =	sdelay $0x1  }
0xa7: {  	s23 =	simm.s32 $0x1B8B  }
0xa8: {  	_ =	swait.ge [sflag:s23], $0x1  }
0xa9: {  	[sflag:s23] =	ssyncset.done $0x0  }
0xaa: {  	s25 =	simm.s32 $0x1B8E;
	s24 =	sld [smem:$0x3FFE];
	[sflag:s23] =	ssyncadd.s32 $0xFFFFFFFF  }
0xab: {  	s26 =	simm.s32 $execute0_lowered;
	[smem:$0x3FD2] =	sst s25  }
0xac: {  	s5 =	sshll.u32 s26, $0x1;
	_ =	strace $0x80000046;
	[dreg:$0x1] =	wrdreg $0xFFFFFFFF  }
0xad: {  	s28 =	simm.s32 $_size_execute0_lowered;
	s3 =	sadd.s32 s3, s5;
	[dreg:$0x0] =	wrdreg $0x0  }
0xae: {  	s5 =	sshll.u32 s28, $0x1;
	[dreg:$0x2] =	wrdreg s3  }
0xaf: {  	[dreg:$0x3] =	wrdreg s5  }
0xb0: {  	[dreg:$0x4] =	wrdreg $0xC0  }
0xb1: {  	_ =	task [dreg:s7], $0x5FFFF  }
0xb2: {  	[dreg:$0x1] =	wrdreg $0xFFFFFFFF  }
0xb3: {  	[dreg:$0x0] =	wrdreg $0x60  }
0xb4: {  	[dreg:$0x2] =	wrdreg s24  }
0xb5: {  	[dreg:$0x3] =	wrdreg s16  }
0xb6: {  	[dreg:$0x4] =	wrdreg $0x9  }
0xb7: {  	_ =	task.clear_ibuf [dreg:s7], $0x5FFFF;
	_ =	strace $0x90000046  }
0xb8: {  	s29 =	simm.s32 $0x9;
	_ =	strace $0x80000048  }
0xb9: {  	_ =	swait.ge [sflag:s29], $0x1  }
0xba: {  	[sflag:s29] =	ssyncadd.s32 $0xFFFFFFFF  }
0xbb: {  	_ =	strace $0x90000048  }
0xbc: {  	_ =	sfence  }
0xbd: {  	s30 =	sld [smem:$0x0];
	_ =	sdelay $0x2  }
0xbe: {  	s31 =	sshll.u32 s1, $0xD;
	s1 =	sshrl.u32 s1, $0x2  }
0xbf: {  	s3 =	sand.u32 $0x4000, s31;
	s1 =	sadd.s32 s1, s30  }
0xc0: {  	s0 =	sor.u32 s3, s0;
	s1 =	sshll.u32 s1, $0x11  }
0xc1: {  	s0 =	sor.u32 s1, s0  }
0xc2: {  	s0 =	sadd.s32 $0x8F2B, s0  }
0xc3: {  	[sflag:s0] =	ssyncadd.remote.s32 $0x1  }
0xc4: {  	_ =	sfence.sel $0xFFFF  }
0xc5: {  	[dreg:$0x0] =	wrdreg $0xFFFFFFFF;
	(pc) =	sbr.abs _section_cstart, $3  }
0xc6: {  	[dreg:$0x1] =	wrdreg $0xFFFFFFFF  }
0xc7: {  	_ =	task.clear_ibuf [dreg:s7], $0x2FFFF;
	_ =	strace $0x9FFFFFFF  }
0xc8: {  	(tm) =	ssettm $0x7FFFFFFF  }
0xc9: {  	_ =	shalt  }
tec
execute0_lowered:
.L_overlay_start_1:
0x0: {  	(tag) =	ssettag $0x1  }
0x1: {  	s0 =	rddreg [dreg:$0x0]  }
0x2: {  	s1 =	rddreg [dreg:$0x1]  }
0x3: {  	s2 =	simm.s32 $0x0;
	s3 =	srdreg.scid;
	s5 =	stileid.u32  }
0x4: {  	s18 =	simm.s32 $0x4000;
	s19 =	simm.s32 $0x3;
	s20 =	simm.s32 $0x4080  }
0x5: {  	s21 =	simm.s32 $0x4100;
	s28 =	simm.s32 $0x1;
	s29 =	simm.s32 $0x2  }
0x6: {  	[smem:$0x7FF] =	sst s2;
	s4 =	sand.u32 $0x1, s3;
	s22 =	sshll.u32 s5, $0x1  }
0x7: {  	s5 =	sshrl.u32 s5, $0x1;
	s3 =	sadd.s32 $0x8000, s0;
	_ =	strace $0x80000047  }
0x8: {  	s6 =	sor.u32 s4, s22;
	s5 =	smul.u32 $0x6000, s5;
	s4 =	ssub.s32 $0x2, s4  }
0x9: {  	s22 =	simm.s32 $0x4180;
	s7 =	sshll.u32 s6, $0x4;
	s8 =	sshrl.u32 s4, $0x1  }
0xa: {  	s31 =	sshll.u32 s6, $0x11;
	s7 =	sadd.s32 s7, s0;
	s5 =	sshrl.u32 s5, $0x3  }
0xb: {  	s4 =	ssub.s32 s4, s8;
	s0 =	sadd.s32 s5, s0;
	s23 =	sadd.s32 $0x408000, s7  }
0xc: {  	s5 =	sshll.u32 s6, $0x7;
	s24 =	sadd.s32 $0x408200, s7;
	[dreg:$0x3] =	wrdreg s23  }
0xd: {  	s25 =	sadd.s32 $0x408400, s7;
	s7 =	sadd.s32 $0x408600, s7;
	[dreg:$0x4] =	wrdreg s24  }
0xe: {  	s6 =	sshll.u32 s6, $0x9;
	s17 =	smax.u32 s4, $0x1;
	[dreg:$0x5] =	wrdreg s25  }
0xf: {  	[dreg:$0x6] =	wrdreg s7;
	s26 =	sadd.s32 $0x2000, s0;
	s30 =	sadd.s32 $0x2400, s0  }
0x10: {  	s0 =	sadd.s32 $0x2800, s0;
	s13 =	sor.u32 $0x2, s5;
	s14 =	sadd.s32 s1, s6  }
0x11: {  	s23 =	simm.s32 $0x4200;
	s24 =	simm.s32 $0x6200;
	[dreg:$0x7] =	wrdreg s26  }
0x12: {  	s25 =	simm.s32 $0x8200;
	s1 =	simm.s32 $0x0;
	[dreg:$0x8] =	wrdreg s30  }
0x13: {  	[dreg:$0x9] =	wrdreg s0;
	s0 =	sadd.s32 s3, s31;
	s15 =	sadd.s32 $0x4000, s14  }
0x14: {  	v0 =	vlaneseq.u32;
	s16 =	sadd.s32 $0x8000, s14;
	s26 =	simm.s32 $0x2000;
	[dreg:$0xa] =	wrdreg s0  }
.LBB2_1:
0x15: {  	s0 =	rddreg [dreg:$0x3]  }
0x16: {  	[tilespmem:s18], [sflag:$0x3] =	stream.linear.gather [hbm4b:s0+s2], $0x80, $0x38;
	[tilespmem:$0xF200] =	vst v63  }
0x17: {  	_ =	swait.ge [sflag:s19], $0x80  }
0x18: {  	[sflag:s19] =	ssyncset.done $0x0  }
0x19: {  	s7 =	rddreg [dreg:$0x4];
	[sflag:s19] =	ssyncadd.s32 $0xFFFFFF80  }
0x1a: {  	[tilespmem:s20], [sflag:$0x3] =	stream.linear.gather [hbm4b:s7+s2], $0x80, $0x38;
	[tilespmem:$0xF200] =	vst v63  }
0x1b: {  	_ =	swait.ge [sflag:s19], $0x80  }
0x1c: {  	[sflag:s19] =	ssyncset.done $0x0  }
0x1d: {  	s8 =	rddreg [dreg:$0x5];
	[sflag:s19] =	ssyncadd.s32 $0xFFFFFF80  }
0x1e: {  	[tilespmem:s21], [sflag:$0x3] =	stream.linear.gather [hbm4b:s8+s2], $0x80, $0x38;
	[tilespmem:$0xF200] =	vst v63  }
0x1f: {  	_ =	swait.ge [sflag:s19], $0x80  }
0x20: {  	[sflag:s19] =	ssyncset.done $0x0  }
0x21: {  	s9 =	rddreg [dreg:$0x6];
	[sflag:s19] =	ssyncadd.s32 $0xFFFFFF80  }
0x22: {  	[tilespmem:s22], [sflag:$0x3] =	stream.linear.gather [hbm4b:s9+s2], $0x80, $0x38;
	[tilespmem:$0xF200] =	vst v63  }
0x23: {  	_ =	swait.ge [sflag:s19], $0x80  }
0x24: {  	[sflag:s19] =	ssyncset.done $0x0  }
0x25: {  	s10 =	rddreg [dreg:$0x7];
	[sflag:s19] =	ssyncadd.s32 $0xFFFFFF80  }
0x26: {  	[tilespmem:s23], [sflag:$0x3] =	stream.linear.gather [hbm4b:s10+s2], $0x2000, $0x38;
	[tilespmem:$0xF200] =	vst v63  }
0x27: {  	_ =	swait.ge [sflag:s19], $0x2000  }
0x28: {  	[sflag:s19] =	ssyncset.done $0x0  }
0x29: {  	s11 =	rddreg [dreg:$0x8];
	[sflag:s19] =	ssyncadd.s32 $0xFFFFE000  }
0x2a: {  	[tilespmem:s24], [sflag:$0x3] =	stream.linear.gather [hbm4b:s11+s2], $0x2000, $0x38;
	[tilespmem:$0xF200] =	vst v63  }
0x2b: {  	_ =	swait.ge [sflag:s19], $0x2000  }
0x2c: {  	[sflag:s19] =	ssyncset.done $0x0  }
0x2d: {  	s12 =	rddreg [dreg:$0x9];
	[sflag:s19] =	ssyncadd.s32 $0xFFFFE000  }
0x2e: {  	[tilespmem:s25], [sflag:$0x3] =	stream.linear.gather [hbm4b:s12+s2], $0x2000, $0x38;
	[tilespmem:$0xF200] =	vst v63  }
0x2f: {  	_ =	swait.ge [sflag:s19], $0x2000  }
0x30: {  	[sflag:s19] =	ssyncset.done $0x0  }
0x31: {  	s30 =	simm.s32 $0x0;
	s31 =	rddreg [dreg:$0xa];
	[sflag:s19] =	ssyncadd.s32 $0xFFFFE000  }
0x32: {  	[tilespmem:s2], [sflag:$0x1] =	stream.linear.gather [hbm4b:s31+s2], $0x2000, $0x38;
	[tilespmem:$0xF200] =	vst v63  }
.LBB2_2:
0x33: {  	s31 =	sshllo.u32 s30, $0x1  }
0x34: {  	s0 =	sshll.u32 s30, $0x1;
	s4 =	sadd.s32 s5, s31  }
0x35: {  	v1 =	vmov s0;
	s4 =	sshll.u32 s4, $0xA  }
0x36: {  	v1 =	vbroadcast v1, $0x0;
	s4 =	sand.u32 $0x1FFFFC00, s4  }
0x37: {  	s6 =	simm.s32 $0x0;
	s4 =	sadd.s32 s3, s4  }
0x38: {  	[tilespmem:s26], [sflag:$0x2] =	stream.linear.gather [hbm4b:s4+s6], $0x2000, $0x38;
	[tilespmem:$0xF200] =	vst v63  }
0x39: {  	_ =	swait.ge [sflag:s28], $0x2000  }
0x3a: {  	[sflag:s28] =	ssyncset.done $0x0  }
0x3b: {  	[sflag:s28] =	ssyncadd.s32 $0xFFFFE000  }
0x3c: {  	s4 =	simm.s32 $0x40;
	v2 =	vld.idx.msk [tilespmem:v1+s18+$0x0], $0xffff  }
0x3d: {  	v3 =	vld [tilespmem:s4+$0xFFFFFFC0]  }
0x3e: {  	v4 =	vld [tilespmem:s4+$0xFFFFFFD0]  }
0x3f: {  	v5 =	vld [tilespmem:s4+$0xFFFFFFE0]  }
0x40: {  	v6 =	vld [tilespmem:s4+$0xFFFFFFF0]  }
0x41: {  	v7 =	vld [tilespmem:s4+$0x0]  }
0x42: {  	v8 =	vld [tilespmem:s4+$0x10];
	vm7 =	vle.f32 v3, v2  }
0x43: {  	v3 =	vld [tilespmem:s4+$0x20];
	vm6 =	vle.f32 v4, v2;
	v4 =	vmpcnt.ones.xlane vm7  }
0x44: {  	v9 =	vld [tilespmem:s4+$0x30];
	vm5 =	vle.f32 v5, v2;
	v5 =	vmpcnt.ones.xlane vm6  }
0x45: {  	vm4 =	vle.f32 v6, v2;
	v63 =	vmpcnt.ones.xlane vm5;
	(v2sf) =	vpush v4, $0x0  }
0x46: {  	vm3 =	vle.f32 v7, v2;
	v4 =	vmpcnt.ones.xlane vm4;
	(v2sf) =	vpush v5, $0x0  }
0x47: {  	vm2 =	vle.f32 v8, v2;
	v5 =	vmpcnt.ones.xlane vm3;
	(v2sf) =	vpush v63, $0x0  }
0x48: {  	vm1 =	vle.f32 v3, v2;
	v3 =	vmpcnt.ones.xlane vm2;
	(v2sf) =	vpush v4, $0x0  }
0x49: {  	vm0 =	vle.f32 v9, v2;
	v4 =	vmpcnt.ones.xlane vm1;
	(v2sf) =	vpush v5, $0x0  }
0x4a: {  	v5 =	vmpcnt.ones.xlane vm0;
	(v2sf) =	vpush v3, $0x0  }
0x4b: {  	(v2sf) =	vpush v4, $0x0  }
0x4c: {  	(v2sf) =	vpush v5, $0x0;
	_ =	sdelay $0x6  }
0x4d: {  	s7 =	simm.s32 $0x0  }
0x4e: {  	s11 =	simm.s32 $0x10;
	v3 =	vor.u32 s7, v0;
	s8 =	spop (v2sf)  }
0x4f: {  	s12 =	simm.s32 $0x20;
	[tilespmem:s6+$0xD200] =	vst.msk vm7, v3;
	v3 =	vor.u32 s11, v0;
	s8 =	sadd.s32 $0x0, s8;
	s10 =	spop (v2sf)  }
0x50: {  	s9 =	simm.s32 $0x30;
	[tilespmem:s8+$0xD200] =	vst.msk vm6, v3;
	s7 =	sadd.s32 s10, s8;
	v3 =	vor.u32 s12, v0;
	s11 =	spop (v2sf)  }
0x51: {  	s12 =	simm.s32 $0x40;
	[tilespmem:s7+$0xD200] =	vst.msk vm5, v3;
	s6 =	sadd.s32 s11, s7;
	v3 =	vor.u32 s9, v0;
	s9 =	spop (v2sf)  }
0x52: {  	s10 =	simm.s32 $0x50;
	[tilespmem:s6+$0xD200] =	vst.msk vm4, v3;
	s6 =	sadd.s32 s9, s6;
	v3 =	vor.u32 s12, v0;
	s11 =	spop (v2sf)  }
0x53: {  	s12 =	simm.s32 $0x60;
	[tilespmem:s6+$0xD200] =	vst.msk vm3, v3;
	s6 =	sadd.s32 s11, s6;
	v3 =	vor.u32 s10, v0;
	s10 =	spop (v2sf)  }
0x54: {  	s11 =	simm.s32 $0x70;
	[tilespmem:s6+$0xD200] =	vst.msk vm2, v3;
	s7 =	sadd.s32 s10, s6;
	v3 =	vor.u32 s12, v0;
	s12 =	spop (v2sf)  }
0x55: {  	s6 =	simm.s32 $0xF0;
	[tilespmem:s7+$0xD200] =	vst.msk vm1, v3;
	s8 =	sadd.s32 s12, s7;
	v3 =	vor.u32 s11, v0;
	s7 =	spop (v2sf)  }
.LBB2_3:
0x56: {  	p0 =	sne.s32 s6, $0x1FF0;
	[tilespmem:s8+$0xD200] =	vst.msk vm0, v3;
	s8 =	sadd.s32 s7, s8;
	s4 =	sadd.s32 $0x80, s4  }
0x57: {  	s7 =	smov.u32 s6;
	s6 =	sadd.s32 $0x80, s6;
	v3 =	vld [tilespmem:s4+$0xFFFFFFC0]  }
0x58: {  	v4 =	vld [tilespmem:s4+$0xFFFFFFD0]  }
0x59: {  	v5 =	vld [tilespmem:s4+$0xFFFFFFE0]  }
0x5a: {  	v6 =	vld [tilespmem:s4+$0xFFFFFFF0]  }
0x5b: {  	v7 =	vld [tilespmem:s4+$0x0]  }
0x5c: {  	v8 =	vld [tilespmem:s4+$0x10];
	vm0 =	vle.f32 v3, v2  }
0x5d: {  	s9 =	sadd.s32 $0xFFFFFF90, s7;
	v3 =	vld [tilespmem:s4+$0x20];
	vm6 =	vle.f32 v4, v2;
	v4 =	vmpcnt.ones.xlane vm0  }
0x5e: {  	v10 =	vor.u32 s9, v0;
	v9 =	vld [tilespmem:s4+$0x30];
	vm5 =	vle.f32 v5, v2;
	v5 =	vmpcnt.ones.xlane vm6  }
0x5f: {  	vm4 =	vle.f32 v6, v2;
	v6 =	vmpcnt.ones.xlane vm5;
	[tilespmem:s8+$0xD200] =	vst.msk vm0, v10;
	(v2sf) =	vpush v4, $0x0  }
0x60: {  	vm3 =	vle.f32 v7, v2;
	v4 =	vmpcnt.ones.xlane vm4;
	(v2sf) =	vpush v5, $0x0  }
0x61: {  	vm2 =	vle.f32 v8, v2;
	v5 =	vmpcnt.ones.xlane vm3;
	(v2sf) =	vpush v6, $0x0  }
0x62: {  	vm1 =	vle.f32 v3, v2;
	v3 =	vmpcnt.ones.xlane vm2;
	(v2sf) =	vpush v4, $0x0  }
0x63: {  	vm0 =	vle.f32 v9, v2;
	v4 =	vmpcnt.ones.xlane vm1;
	(v2sf) =	vpush v5, $0x0  }
0x64: {  	v5 =	vmpcnt.ones.xlane vm0;
	(v2sf) =	vpush v3, $0x0  }
0x65: {  	(v2sf) =	vpush v4, $0x0  }
0x66: {  	(v2sf) =	vpush v5, $0x0;
	_ =	sdelay $0x7  }
0x67: {  	s10 =	sadd.s32 $0xFFFFFFD0, s7;
	s9 =	sadd.s32 $0xFFFFFFA0, s7;
	s11 =	spop (v2sf)  }
0x68: {  	s12 =	sadd.s32 $0xFFFFFFB0, s7;
	v3 =	vor.u32 s9, v0;
	s8 =	sadd.s32 s8, s11;
	s9 =	spop (v2sf)  }
0x69: {  	s11 =	sadd.s32 $0xFFFFFFC0, s7;
	[tilespmem:s8+$0xD200] =	vst.msk vm6, v3;
	s8 =	sadd.s32 s9, s8;
	v3 =	vor.u32 s12, v0;
	s9 =	spop (v2sf)  }
.Ltmp0:
0x6a: {  	[tilespmem:s8+$0xD200] =	vst.msk vm5, v3;
	s8 =	sadd.s32 s9, s8;
	v3 =	vor.u32 s11, v0;
	s9 =	spop (v2sf);
	(pc) =	sbr.rel @p0 .LBB2_3-.Ltmp0, $4  }
0x6b: {  	s11 =	sadd.s32 $0xFFFFFFE0, s7;
	[tilespmem:s8+$0xD200] =	vst.msk vm4, v3;
	s8 =	sadd.s32 s9, s8;
	v3 =	vor.u32 s10, v0;
	s9 =	spop (v2sf)  }
0x6c: {  	s10 =	sadd.s32 $0xFFFFFFF0, s7;
	[tilespmem:s8+$0xD200] =	vst.msk vm3, v3;
	s8 =	sadd.s32 s9, s8;
	v3 =	vor.u32 s11, v0;
	s9 =	spop (v2sf)  }
0x6d: {  	[tilespmem:s8+$0xD200] =	vst.msk vm2, v3;
	s8 =	sadd.s32 s9, s8;
	v3 =	vor.u32 s10, v0;
	s9 =	spop (v2sf)  }
0x6e: {  	[tilespmem:s8+$0xD200] =	vst.msk vm1, v3;
	s8 =	sadd.s32 s9, s8;
	v3 =	vor.u32 s7, v0;
	s7 =	spop (v2sf)  }
0x6f: {  	[tilespmem:s8+$0xD200] =	vst.msk vm0, v3  }
0x70: {  	v2 =	vld [tilespmem:$0xD200];
	_ =	sdelay $0x5  }
0x71: {  	v3 =	vld [tilespmem:$0xD210]  }
0x72: {  	v4 =	vld.idx.msk [tilespmem:v1+s20+$0x0], $0xffff  }
0x73: {  	v5 =	vld.idx.msk [tilespmem:v2+s23+$0x0], $0xffff;
	_ =	sdelay $0x4  }
0x74: {  	v5 =	vsub.f32 v5, v4  }
0x75: {  	s4 =	sshll.u32 s30, $0x6;
	v6 =	vld.idx.msk [tilespmem:v1+s21+$0x0], $0xffff  }
0x76: {  	v1 =	vld.idx.msk [tilespmem:v1+s22+$0x0], $0xffff;
	[tilespmem:s4+$0xA200] =	vst v5  }
0x77: {  	v5 =	vld.idx.msk [tilespmem:v3+s23+$0x0], $0xffff;
	_ =	sdelay $0x4  }
0x78: {  	v4 =	vsub.f32 v5, v4;
	_ =	sdelay $0x1  }
0x79: {  	[tilespmem:s4+$0xA210] =	vst v4  }
0x7a: {  	v4 =	vld.idx.msk [tilespmem:v2+s24+$0x0], $0xffff;
	_ =	sdelay $0x4  }
0x7b: {  	v4 =	vsub.f32 v4, v6;
	_ =	sdelay $0x1  }
0x7c: {  	[tilespmem:s4+$0xB200] =	vst v4  }
0x7d: {  	v4 =	vld.idx.msk [tilespmem:v3+s24+$0x0], $0xffff;
	_ =	sdelay $0x4  }
0x7e: {  	v4 =	vsub.f32 v4, v6;
	_ =	sdelay $0x1  }
0x7f: {  	[tilespmem:s4+$0xB210] =	vst v4  }
0x80: {  	v2 =	vld.idx.msk [tilespmem:v2+s25+$0x0], $0xffff;
	_ =	sdelay $0x4  }
0x81: {  	v2 =	vsub.f32 v2, v1;
	_ =	sdelay $0x1  }
0x82: {  	[tilespmem:s4+$0xC200] =	vst v2  }
0x83: {  	v2 =	vld.idx.msk [tilespmem:v3+s25+$0x0], $0xffff;
	_ =	sdelay $0x2  }
0x84: {  	p0 =	seq.s32 s30, $0x3F  }
0x85: {  	s0 =	sadd.s32 @!p0 s0, s13  }
0x86: {  	s0 =	sshll.u32 @!p0 s0, $0xA;
	v1 =	vsub.f32 v2, v1  }
0x87: {  	s0 =	sand.u32 @!p0 $0x1FFFF800, s0  }
0x88: {  	s0 =	sadd.s32 @!p0 s3, s0;
	[tilespmem:s4+$0xC210] =	vst v1;
	s4 =	simm.s32 @!p0 $0x0;
	v1 =	vmov s31  }
0x89: {  	[tilespmem:s4], [sflag:$0x1] =	stream.linear.gather @!p0 [hbm4b:s0+s4], $0x2000, $0x38;
	[tilespmem:$0xF200] =	vst v63  }
0x8a: {  	_ =	swait.ge [sflag:s29], $0x2000  }
0x8b: {  	[sflag:s29] =	ssyncset.done $0x0  }
0x8c: {  	[sflag:s29] =	ssyncadd.s32 $0xFFFFE000  }
0x8d: {  	s0 =	simm.s32 $0x2040;
	v2 =	vld.idx.msk [tilespmem:v1+s18+$0x0], $0xffff  }
0x8e: {  	v3 =	vld [tilespmem:s0+$0xFFFFFFC0]  }
0x8f: {  	v4 =	vld [tilespmem:s0+$0xFFFFFFD0]  }
0x90: {  	v5 =	vld [tilespmem:s0+$0xFFFFFFE0]  }
0x91: {  	v62 =	vld [tilespmem:s0+$0xFFFFFFF0]  }
0x92: {  	v7 =	vld [tilespmem:s0+$0x0]  }
0x93: {  	v8 =	vld [tilespmem:s0+$0x10];
	vm7 =	vle.f32 v3, v2  }
0x94: {  	v3 =	vld [tilespmem:s0+$0x20];
	vm6 =	vle.f32 v4, v2;
	v4 =	vmpcnt.ones.xlane vm7  }
0x95: {  	v9 =	vld [tilespmem:s0+$0x30];
	vm5 =	vle.f32 v5, v2;
	v5 =	vmpcnt.ones.xlane vm6  }
0x96: {  	vm4 =	vle.f32 v62, v2;
	v63 =	vmpcnt.ones.xlane vm5;
	(v2sf) =	vpush v4, $0x0  }
0x97: {  	vm3 =	vle.f32 v7, v2;
	v4 =	vmpcnt.ones.xlane vm4;
	(v2sf) =	vpush v5, $0x0  }
0x98: {  	vm2 =	vle.f32 v8, v2;
	v5 =	vmpcnt.ones.xlane vm3;
	(v2sf) =	vpush v63, $0x0  }
0x99: {  	vm1 =	vle.f32 v3, v2;
	v3 =	vmpcnt.ones.xlane vm2;
	(v2sf) =	vpush v4, $0x0  }
0x9a: {  	vm0 =	vle.f32 v9, v2;
	v4 =	vmpcnt.ones.xlane vm1;
	(v2sf) =	vpush v5, $0x0  }
0x9b: {  	v5 =	vmpcnt.ones.xlane vm0;
	(v2sf) =	vpush v3, $0x0  }
0x9c: {  	(v2sf) =	vpush v4, $0x0  }
0x9d: {  	(v2sf) =	vpush v5, $0x0;
	_ =	sdelay $0x6  }
0x9e: {  	s8 =	simm.s32 $0x0  }
0x9f: {  	s6 =	simm.s32 $0x0;
	s9 =	simm.s32 $0x10;
	v3 =	vor.u32 s8, v0;
	s7 =	spop (v2sf)  }
0xa0: {  	s10 =	simm.s32 $0x20;
	[tilespmem:s6+$0xD200] =	vst.msk vm7, v3;
	v3 =	vor.u32 s9, v0;
	s7 =	sadd.s32 $0x0, s7;
	s11 =	spop (v2sf)  }
0xa1: {  	s12 =	simm.s32 $0x30;
	[tilespmem:s7+$0xD200] =	vst.msk vm6, v3;
	s4 =	sadd.s32 s11, s7;
	v3 =	vor.u32 s10, v0;
	s9 =	spop (v2sf)  }
0xa2: {  	s10 =	simm.s32 $0x40;
	[tilespmem:s4+$0xD200] =	vst.msk vm5, v3;
	s4 =	sadd.s32 s9, s4;
	v3 =	vor.u32 s12, v0;
	s11 =	spop (v2sf)  }
0xa3: {  	s12 =	simm.s32 $0x50;
	[tilespmem:s4+$0xD200] =	vst.msk vm4, v3;
	s4 =	sadd.s32 s11, s4;
	v3 =	vor.u32 s10, v0;
	s7 =	spop (v2sf)  }
0xa4: {  	s9 =	simm.s32 $0x60;
	[tilespmem:s4+$0xD200] =	vst.msk vm3, v3;
	s4 =	sadd.s32 s7, s4;
	v3 =	vor.u32 s12, v0;
	s10 =	spop (v2sf)  }
0xa5: {  	s11 =	simm.s32 $0x70;
	[tilespmem:s4+$0xD200] =	vst.msk vm2, v3;
	s6 =	sadd.s32 s10, s4;
	v3 =	vor.u32 s9, v0;
	s12 =	spop (v2sf)  }
0xa6: {  	s4 =	simm.s32 $0xF0;
	[tilespmem:s6+$0xD200] =	vst.msk vm1, v3;
	s7 =	sadd.s32 s12, s6;
	v3 =	vor.u32 s11, v0;
	s6 =	spop (v2sf)  }
.LBB2_5:
0xa7: {  	p0 =	sne.s32 s4, $0x1FF0;
	[tilespmem:s7+$0xD200] =	vst.msk vm0, v3;
	s7 =	sadd.s32 s6, s7;
	s0 =	sadd.s32 $0x80, s0  }
0xa8: {  	s6 =	smov.u32 s4;
	s4 =	sadd.s32 $0x80, s4;
	v3 =	vld [tilespmem:s0+$0xFFFFFFC0]  }
0xa9: {  	v4 =	vld [tilespmem:s0+$0xFFFFFFD0]  }
0xaa: {  	v5 =	vld [tilespmem:s0+$0xFFFFFFE0]  }
0xab: {  	v6 =	vld [tilespmem:s0+$0xFFFFFFF0]  }
0xac: {  	v7 =	vld [tilespmem:s0+$0x0]  }
0xad: {  	v8 =	vld [tilespmem:s0+$0x10];
	vm0 =	vle.f32 v3, v2  }
0xae: {  	s8 =	sadd.s32 $0xFFFFFF90, s6;
	v3 =	vld [tilespmem:s0+$0x20];
	vm6 =	vle.f32 v4, v2;
	v4 =	vmpcnt.ones.xlane vm0  }
0xaf: {  	v10 =	vor.u32 s8, v0;
	v9 =	vld [tilespmem:s0+$0x30];
	vm5 =	vle.f32 v5, v2;
	v5 =	vmpcnt.ones.xlane vm6  }
0xb0: {  	vm4 =	vle.f32 v6, v2;
	v6 =	vmpcnt.ones.xlane vm5;
	[tilespmem:s7+$0xD200] =	vst.msk vm0, v10;
	(v2sf) =	vpush v4, $0x0  }
0xb1: {  	vm3 =	vle.f32 v7, v2;
	v4 =	vmpcnt.ones.xlane vm4;
	(v2sf) =	vpush v5, $0x0  }
0xb2: {  	vm2 =	vle.f32 v8, v2;
	v5 =	vmpcnt.ones.xlane vm3;
	(v2sf) =	vpush v6, $0x0  }
0xb3: {  	vm1 =	vle.f32 v3, v2;
	v3 =	vmpcnt.ones.xlane vm2;
	(v2sf) =	vpush v4, $0x0  }
0xb4: {  	vm0 =	vle.f32 v9, v2;
	v4 =	vmpcnt.ones.xlane vm1;
	(v2sf) =	vpush v5, $0x0  }
0xb5: {  	v5 =	vmpcnt.ones.xlane vm0;
	(v2sf) =	vpush v3, $0x0  }
0xb6: {  	(v2sf) =	vpush v4, $0x0  }
0xb7: {  	(v2sf) =	vpush v5, $0x0;
	_ =	sdelay $0x7  }
0xb8: {  	s9 =	sadd.s32 $0xFFFFFFD0, s6;
	s8 =	sadd.s32 $0xFFFFFFA0, s6;
	s10 =	spop (v2sf)  }
0xb9: {  	s11 =	sadd.s32 $0xFFFFFFB0, s6;
	v3 =	vor.u32 s8, v0;
	s7 =	sadd.s32 s7, s10;
	s8 =	spop (v2sf)  }
0xba: {  	s10 =	sadd.s32 $0xFFFFFFC0, s6;
	[tilespmem:s7+$0xD200] =	vst.msk vm6, v3;
	s7 =	sadd.s32 s8, s7;
	v3 =	vor.u32 s11, v0;
	s8 =	spop (v2sf)  }
.Ltmp1:
0xbb: {  	[tilespmem:s7+$0xD200] =	vst.msk vm5, v3;
	s7 =	sadd.s32 s8, s7;
	v3 =	vor.u32 s10, v0;
	s8 =	spop (v2sf);
	(pc) =	sbr.rel @p0 .LBB2_5-.Ltmp1, $4  }
0xbc: {  	s10 =	sadd.s32 $0xFFFFFFE0, s6;
	[tilespmem:s7+$0xD200] =	vst.msk vm4, v3;
	s7 =	sadd.s32 s8, s7;
	v3 =	vor.u32 s9, v0;
	s8 =	spop (v2sf)  }
0xbd: {  	s9 =	sadd.s32 $0xFFFFFFF0, s6;
	[tilespmem:s7+$0xD200] =	vst.msk vm3, v3;
	s7 =	sadd.s32 s8, s7;
	v3 =	vor.u32 s10, v0;
	s8 =	spop (v2sf)  }
0xbe: {  	[tilespmem:s7+$0xD200] =	vst.msk vm2, v3;
	s7 =	sadd.s32 s8, s7;
	v3 =	vor.u32 s9, v0;
	s8 =	spop (v2sf)  }
0xbf: {  	[tilespmem:s7+$0xD200] =	vst.msk vm1, v3;
	s7 =	sadd.s32 s8, s7;
	v3 =	vor.u32 s6, v0;
	s6 =	spop (v2sf)  }
0xc0: {  	[tilespmem:s7+$0xD200] =	vst.msk vm0, v3  }
0xc1: {  	v2 =	vld [tilespmem:$0xD200];
	_ =	sdelay $0x5  }
0xc2: {  	v3 =	vld [tilespmem:$0xD210]  }
0xc3: {  	v4 =	vld.idx.msk [tilespmem:v1+s20+$0x0], $0xffff  }
0xc4: {  	v5 =	vld.idx.msk [tilespmem:v2+s23+$0x0], $0xffff;
	_ =	sdelay $0x4  }
0xc5: {  	v5 =	vsub.f32 v5, v4  }
0xc6: {  	s0 =	sshll.u32 s31, $0x5;
	v6 =	vld.idx.msk [tilespmem:v1+s21+$0x0], $0xffff  }
0xc7: {  	v1 =	vld.idx.msk [tilespmem:v1+s22+$0x0], $0xffff;
	[tilespmem:s0+$0xA200] =	vst v5  }
0xc8: {  	v5 =	vld.idx.msk [tilespmem:v3+s23+$0x0], $0xffff;
	_ =	sdelay $0x4  }
0xc9: {  	v4 =	vsub.f32 v5, v4;
	_ =	sdelay $0x1  }
0xca: {  	[tilespmem:s0+$0xA210] =	vst v4  }
0xcb: {  	v4 =	vld.idx.msk [tilespmem:v2+s24+$0x0], $0xffff;
	_ =	sdelay $0x4  }
0xcc: {  	v4 =	vsub.f32 v4, v6;
	_ =	sdelay $0x1  }
0xcd: {  	[tilespmem:s0+$0xB200] =	vst v4  }
0xce: {  	v4 =	vld.idx.msk [tilespmem:v3+s24+$0x0], $0xffff;
	_ =	sdelay $0x4  }
0xcf: {  	v4 =	vsub.f32 v4, v6;
	_ =	sdelay $0x1  }
0xd0: {  	[tilespmem:s0+$0xB210] =	vst v4  }
0xd1: {  	v2 =	vld.idx.msk [tilespmem:v2+s25+$0x0], $0xffff;
	_ =	sdelay $0x4  }
0xd2: {  	v2 =	vsub.f32 v2, v1;
	_ =	sdelay $0x1  }
0xd3: {  	[tilespmem:s0+$0xC200] =	vst v2  }
0xd4: {  	v2 =	vld.idx.msk [tilespmem:v3+s25+$0x0], $0xffff  }
0xd5: {  	s30 =	sadd.s32 $0x1, s30  }
0xd6: {  	p0 =	sne.s32 s30, $0x40  }
.Ltmp2:
0xd7: {  	_ = 	snop;
	(pc) =	sbr.rel @p0 .LBB2_2-.Ltmp2, $3  }
0xd8: {  	_ = 	snop  }
0xd9: {  	v1 =	vsub.f32 v2, v1;
	_ =	sdelay $0x1  }
0xda: {  	[tilespmem:s0+$0xC210] =	vst v1  }
0xdb: {  	s0 =	simm.s32 $0xA200  }
0xdc: {  	[hbm4b:s14+s2] =	stream.linear.scatter [tilespmem:s0], [sflag:$0x3], $0x1000, $0x38;
	[tilespmem:$0xF200] =	vst v63  }
0xdd: {  	_ =	swait.ge [sflag:s19], $0x1000  }
0xde: {  	[sflag:s19] =	ssyncset.done $0x0  }
0xdf: {  	s30 =	simm.s32 $0xB200;
	[sflag:s19] =	ssyncadd.s32 $0xFFFFF000  }
0xe0: {  	[hbm4b:s15+s2] =	stream.linear.scatter [tilespmem:s30], [sflag:$0x3], $0x1000, $0x38;
	[tilespmem:$0xF200] =	vst v63  }
0xe1: {  	s1 =	sadd.s32 $0x1, s1;
	_ =	swait.ge [sflag:s19], $0x1000  }
0xe2: {  	p0 =	sne.s32 s1, s17;
	[sflag:s19] =	ssyncset.done $0x0  }
.Ltmp3:
0xe3: {  	s31 =	simm.s32 $0xC200;
	[sflag:s19] =	ssyncadd.s32 $0xFFFFF000;
	(pc) =	sbr.rel @p0 .LBB2_1-.Ltmp3, $4  }
0xe4: {  	[hbm4b:s16+s2] =	stream.linear.scatter [tilespmem:s31], [sflag:$0x3], $0x1000, $0x38;
	[tilespmem:$0xF200] =	vst v63  }
0xe5: {  	_ =	swait.ge [sflag:s19], $0x1000  }
0xe6: {  	[sflag:s19] =	ssyncset.done $0x0  }
0xe7: {  	[sflag:s19] =	ssyncadd.s32 $0xFFFFF000  }
0xe8: {  	_ =	sfence.sel $0x180000  }
0xe9: {  	[bflag:$0x0] =	sbarrier.arrive $0xFFFF  }
0xea: {  	_ =	strace $0x90000047  }
0xeb: {  	s0 =	stileid.u32;
	[bflag:$0x2] =	sbarrier.arrive $0xFFFF  }
0xec: {  	p0 =	sne.s32 s0, $0x0;
	s0 =	rddreg [dreg:$0x2]  }
0xed: {  	s0 =	sadd.s32 @!p0 $0x100000, s0  }
0xee: {  	[sflag:s0] =	ssyncadd.tile.s32 @!p0 $0x1;
	_ =	shalt  }
.Lfunc_end2:
_tile_overlayer_lowered:
.L_overlay_start_2:
0xef: {  	(tag) =	ssettag $0x2  }
0xf0: {  	s0 =	rddreg [dreg:$0x0];
	s2 =	stileid.u32  }
0xf1: {  	s1 =	rddreg [dreg:$0x1];
	p0 =	sne.s32 s2, $0x0  }
0xf2: {  	s3 =	rddreg [dreg:$0x2];
	[bflag:$0x3] =	sbarrier.arrive $0xFFFF;
	s2 =	simm.s32 @!p0 $0x1C03  }
0xf3: {  	[timem:s3], [sflag:s2] =	dma.local @!p0 [hbm:s0], s1  }
0xf4: {  	s0 =	simm.s32 @!p0 $0x3  }
0xf5: {  	_ =	swait.ge @!p0 [sflag:s0], s1  }
0xf6: {  	s1 =	ssub.s32 @!p0 $0x0, s1;
	[sflag:s0] =	ssyncset.done @!p0 $0x0  }
0xf7: {  	[sflag:s0] =	ssyncadd.s32 @!p0 s1  }
0xf8: {  	[bflag:$0x3] =	sbarrier.arrive $0xFFFF  }
0xf9: {  	_ =	shalt  }

</sc_bundles>
